<compile_context>
chip_gen: v7x
topology: tpu7x:2x2x1
jax: 0.10.2.dev20260603
libtpu: 0.0.44.dev20260713+nightly
codegen_flags: <defaults>
</compile_context>

<pallas_src>
import functools

import jax
import jax.numpy as jnp
from jax import lax
from jax.experimental import pallas as pl
from jax.experimental.pallas import tpu as pltpu
from jax.experimental.pallas import tpu_sc as plsc

N = 4096
DIN = 384
D = 512
DH = 256
K = 6
SCALE = D ** (-0.5)
BLK = 128
NBLK = N // BLK
NEG = float("-inf")

_PREC = lax.Precision.DEFAULT


def _dot(a, b):
    return lax.dot_general(a, b, (((1,), (0,)), ((), ())),
                           precision=_PREC, preferred_element_type=jnp.float32)


def _dot_t(a, b):
    return lax.dot_general(a, b, (((1,), (1,)), ((), ())),
                           precision=lax.Precision.DEFAULT,
                           preferred_element_type=jnp.float32)


def _leaky(x):
    return jnp.where(x >= 0, x, 0.01 * x)


def _bf16_bits(x):
    u = lax.bitcast_convert_type(x, jnp.int32)
    return (u + 0x7FFF + ((u >> 16) & 1)) >> 16


def _pack_pair(x):
    lo = _bf16_bits(x[:, :D // 2])
    hi = _bf16_bits(x[:, D // 2:])
    return (lo & 0xFFFF) | (hi << 16)


def _unpack_pair(w):
    lo = lax.bitcast_convert_type(w << 16, jnp.float32)
    hi = lax.bitcast_convert_type((w >> 16) << 16, jnp.float32)
    return jnp.concatenate([lo, hi], axis=1)



def _k_abc(xp_ref, w1_ref, b1_ref, wh_ref, bh_ref, wt_ref, bt_ref,
           eh_ref, etb_ref, vals_ref, idx_ref, ehs, ets, cs):
    p = pl.program_id(0)
    i = pl.program_id(1)

    @pl.when(p == 0)
    def _():
        x1 = _leaky(_dot(xp_ref[...], w1_ref[...]) + b1_ref[...])

        @pl.when(i == 0)
        def _():
            cs[...] = jnp.zeros_like(cs)

        cs[...] += jnp.sum(x1, axis=0, keepdims=True)

    @pl.when(p == 1)
    def _():
        x1 = _leaky(_dot(xp_ref[...], w1_ref[...]) + b1_ref[...])
        x = (x1 + cs[...] * (1.0 / N)) * 0.5
        eh = _dot(x, wh_ref[...]) + bh_ref[...]
        et = _dot(x, wt_ref[...]) + bt_ref[...]
        eh_ref[...] = eh
        etb_ref[...] = _pack_pair(et)
        ehs[pl.ds(i * BLK, BLK), :] = eh
        ets[pl.ds(i * BLK, BLK), :] = et

    @pl.when(p == 2)
    def _():
        eh_ref[...] = ehs[pl.ds(0, BLK), :]
        etb_ref[...] = _pack_pair(ets[pl.ds(0, BLK), :])
        eh = ehs[pl.ds(i * BLK, BLK), :]
        logits = _dot_t(eh * SCALE, ets[...])
        cols = lax.broadcasted_iota(jnp.int32, (BLK, N), 1)
        kcol = lax.broadcasted_iota(jnp.int32, (BLK, K), 1)
        vals = jnp.full((BLK, K), NEG, jnp.float32)
        idxs = jnp.zeros((BLK, K), jnp.int32)
        x = logits
        for k in range(K):
            m = jnp.max(x, axis=1, keepdims=True)
            i_k = jnp.argmax(x, axis=1).astype(jnp.int32)[:, None]
            vals = jnp.where(kcol == k, m, vals)
            idxs = jnp.where(kcol == k, i_k, idxs)
            x = jnp.where(cols == i_k, NEG, x)
        vals_ref[...] = vals
        idx_ref[...] = idxs


def _abc(xp, w1, b1, wh, bh, wt, bt):
    return pl.pallas_call(
        _k_abc,
        grid=(3, NBLK),
        in_specs=[
            pl.BlockSpec((BLK, DIN), lambda p, i: (jnp.where(p == 2, 0, i), 0)),
            pl.BlockSpec((DIN, D), lambda p, i: (0, 0)),
            pl.BlockSpec((1, D), lambda p, i: (0, 0)),
            pl.BlockSpec((D, D), lambda p, i: (0, 0)),
            pl.BlockSpec((1, D), lambda p, i: (0, 0)),
            pl.BlockSpec((D, D), lambda p, i: (0, 0)),
            pl.BlockSpec((1, D), lambda p, i: (0, 0)),
        ],
        out_specs=[
            pl.BlockSpec((BLK, D), lambda p, i: (jnp.where(p == 1, i, 0), 0)),
            pl.BlockSpec((BLK, D // 2),
                         lambda p, i: (jnp.where(p == 1, i, 0), 0)),
            pl.BlockSpec((BLK, K), lambda p, i: (jnp.where(p == 2, i, 0), 0)),
            pl.BlockSpec((BLK, K), lambda p, i: (jnp.where(p == 2, i, 0), 0)),
        ],
        out_shape=[
            jax.ShapeDtypeStruct((N, D), jnp.float32),
            jax.ShapeDtypeStruct((N, D // 2), jnp.int32),
            jax.ShapeDtypeStruct((N, K), jnp.float32),
            jax.ShapeDtypeStruct((N, K), jnp.int32),
        ],
        scratch_shapes=[
            pltpu.VMEM((N, D), jnp.float32),
            pltpu.VMEM((N, D), jnp.float32),
            pltpu.VMEM((1, D), jnp.float32),
        ],
    )(xp, w1, b1, wh, bh, wt, bt)



_NW = 32
_PER_W = N * K // _NW
_NBUF = 4
_CH = 48
_NCH = _PER_W // _CH


_DG = D // 2


def _sc_gather(table, idx_flat):
    mesh = plsc.VectorSubcoreMesh(core_axis_name="c", subcore_axis_name="s")

    @functools.partial(
        pl.kernel,
        mesh=mesh,
        out_type=jax.ShapeDtypeStruct((N * K, _DG), jnp.int32),
        scratch_types=[
            pltpu.VMEM((_PER_W,), jnp.int32),
        ] + [pltpu.VMEM((_CH, _DG), jnp.int32)] * _NBUF
          + [pltpu.SemaphoreType.DMA] * (2 * _NBUF),
    )
    def k(table_hbm, idx_hbm, out_hbm, idx_v, *scr):
        bufs = scr[:_NBUF]
        gsem = scr[_NBUF:2 * _NBUF]
        wsem = scr[2 * _NBUF:]
        wid = lax.axis_index("s") * 2 + lax.axis_index("c")
        base = wid * _PER_W
        pltpu.sync_copy(idx_hbm.at[pl.ds(base, _PER_W)], idx_v)

        def gather(c):
            b = c % _NBUF
            return pltpu.async_copy(
                table_hbm.at[idx_v.at[pl.ds(c * _CH, _CH)]], bufs[b], gsem[b])

        def write(c):
            b = c % _NBUF
            return pltpu.async_copy(
                bufs[b], out_hbm.at[pl.ds(base + c * _CH, _CH)], wsem[b])

        gathers = [None] * _NCH
        writes = [None] * _NCH
        for c in range(_NBUF):
            gathers[c] = gather(c)
        for c in range(_NCH):
            gathers[c].wait()
            writes[c] = write(c)
            nc = c + _NBUF
            if nc < _NCH:
                writes[c].wait()
                gathers[nc] = gather(nc)
        for c in range(_NCH - _NBUF, _NCH):
            writes[c].wait()

    return k(table, idx_flat)



def _k_ef(eh_ref, vals_ref, nb_ref, wl1_ref, bl1_ref, wl2_ref, bl2_ref,
          wa1_ref, ba1_ref, wa2_ref, ba2_ref, out_ref, e2s, gls):
    p = pl.program_id(0)
    i = pl.program_id(1)

    @pl.when(p == 0)
    def _():
        h = eh_ref[...]
        v = vals_ref[...]
        kcol = lax.broadcasted_iota(jnp.int32, (BLK, K), 1)

        m = jnp.max(v, axis=1, keepdims=True)
        ev = jnp.exp(v - m)
        pr = ev / jnp.sum(ev, axis=1, keepdims=True)

        nbs = [_unpack_pair(nb_ref[:, k, :]) for k in range(K)]
        ka = jnp.full((BLK, K), NEG, jnp.float32)
        for k in range(K):
            nb_k = nbs[k]
            p_k = pr[:, k:k + 1]
            eh_r = p_k * nb_k + (1.0 - p_k) * h
            gate = jnp.tanh(h + eh_r)
            ka_k = (jnp.sum(nb_k, axis=1, keepdims=True)
                    * jnp.sum(gate, axis=1, keepdims=True))
            ka = jnp.where(kcol == k, ka_k, ka)

        m2 = jnp.max(ka, axis=1, keepdims=True)
        eka = jnp.exp(ka - m2)
        q = eka / jnp.sum(eka, axis=1, keepdims=True)

        e_nh = jnp.zeros((BLK, D), jnp.float32)
        for k in range(K):
            e_nh = e_nh + q[:, k:k + 1] * nbs[k]

        s_emb = _leaky(_dot(h + e_nh, wl1_ref[...]) + bl1_ref[...])
        b_emb = _leaky(_dot(h * e_nh, wl2_ref[...]) + bl2_ref[...])
        e2 = s_emb + b_emb
        e2s[pl.ds(i * BLK, BLK), :] = e2

        g1 = _leaky(_dot(e2, wa1_ref[...]) + ba1_ref[...])
        gls[pl.ds(i * BLK, BLK), :] = (
            jnp.sum(g1 * wa2_ref[...], axis=1, keepdims=True) + ba2_ref[...])

    @pl.when(p == 1)
    def _():
        gl = gls[...]
        m = jnp.max(gl, axis=0, keepdims=True)
        s = jnp.sum(jnp.exp(gl - m), axis=0, keepdims=True)
        gl_blk = gls[pl.ds(i * BLK, BLK), :]
        att = jnp.exp(gl_blk - m) / s

        @pl.when(i == 0)
        def _():
            out_ref[...] = jnp.zeros_like(out_ref)

        out_ref[...] += jnp.sum(att * e2s[pl.ds(i * BLK, BLK), :],
                                axis=0, keepdims=True)


def _ef(eh, vals, nb, wl1, bl1, wl2, bl2, wa1, ba1, wa2r, ba2):
    return pl.pallas_call(
        _k_ef,
        grid=(2, NBLK),
        in_specs=[
            pl.BlockSpec((BLK, D), lambda p, i: (jnp.where(p == 0, i, 0), 0)),
            pl.BlockSpec((BLK, K), lambda p, i: (jnp.where(p == 0, i, 0), 0)),
            pl.BlockSpec((BLK, K, D // 2),
                         lambda p, i: (jnp.where(p == 0, i, 0), 0, 0)),
            pl.BlockSpec((D, D), lambda p, i: (0, 0)),
            pl.BlockSpec((1, D), lambda p, i: (0, 0)),
            pl.BlockSpec((D, D), lambda p, i: (0, 0)),
            pl.BlockSpec((1, D), lambda p, i: (0, 0)),
            pl.BlockSpec((D, DH), lambda p, i: (0, 0)),
            pl.BlockSpec((1, DH), lambda p, i: (0, 0)),
            pl.BlockSpec((1, DH), lambda p, i: (0, 0)),
            pl.BlockSpec((1, 1), lambda p, i: (0, 0)),
        ],
        out_specs=pl.BlockSpec((1, D), lambda p, i: (0, 0)),
        out_shape=jax.ShapeDtypeStruct((1, D), jnp.float32),
        scratch_shapes=[
            pltpu.VMEM((N, D), jnp.float32),
            pltpu.VMEM((N, 1), jnp.float32),
        ],
    )(eh, vals, nb, wl1, bl1, wl2, bl2, wa1, ba1, wa2r, ba2)



def kernel(x_path, W1, b1, Wh, bh, Wt, bt, Wl1, bl1, Wl2, bl2, Wa1, ba1, Wa2, ba2):
    xp = x_path.reshape(N, DIN)
    eh, etb, vals, idx = _abc(xp, W1, b1.reshape(1, D), Wh, bh.reshape(1, D),
                              Wt, bt.reshape(1, D))
    nb = _sc_gather(etb, idx.reshape(N * K)).reshape(N, K, D // 2)
    return _ef(eh, vals, nb, Wl1, bl1.reshape(1, D), Wl2, bl2.reshape(1, D),
               Wa1, ba1.reshape(1, DH), Wa2.reshape(1, DH), ba2.reshape(1, 1))

# --- scband reference (transcript-rebuilt; emitter-appended) ---
"""Pipeline reference for scband-pgbf-58548994179774 (READ-ONLY COPY).

The authoritative reference and input builder live on the scoring server;
editing this copy changes nothing except your own understanding.
"""

import jax, jax.numpy as jnp
import numpy as np

DIM_IN = 384
DIM_H = 512
TOPK = 6
SCALE = DIM_H ** (-0.5)
N = 4096
B = 1


def _leaky(x):
    return jax.nn.leaky_relu(x, negative_slope=0.01)


def setup_inputs(seed: int = 0):
    key = jax.random.key(seed)
    ks = jax.random.split(key, 16)
    def p(k, shape):
        return jax.random.normal(k, shape, dtype=jnp.float32) * 0.02
    return {
        "x_path": jax.random.normal(ks[0], (B, N, DIM_IN), dtype=jnp.float32),
        "W1": p(ks[1], (DIM_IN, DIM_H)), "b1": jnp.zeros((DIM_H,), jnp.float32),
        "Wh": p(ks[2], (DIM_H, DIM_H)), "bh": jnp.zeros((DIM_H,), jnp.float32),
        "Wt": p(ks[3], (DIM_H, DIM_H)), "bt": jnp.zeros((DIM_H,), jnp.float32),
        "Wl1": p(ks[4], (DIM_H, DIM_H)), "bl1": jnp.zeros((DIM_H,), jnp.float32),
        "Wl2": p(ks[5], (DIM_H, DIM_H)), "bl2": jnp.zeros((DIM_H,), jnp.float32),
        "Wa1": p(ks[6], (DIM_H, DIM_H // 2)), "ba1": jnp.zeros((DIM_H // 2,), jnp.float32),
        "Wa2": p(ks[7], (DIM_H // 2, 1)), "ba2": jnp.zeros((1,), jnp.float32),
    }


def reference(x_path, W1, b1, Wh, bh, Wt, bt, Wl1, bl1, Wl2, bl2, Wa1, ba1, Wa2, ba2):
    # _fc1: Linear + LeakyReLU (dropout layers are identity in eval)
    x = _leaky(x_path @ W1 + b1)
    x = (x + jnp.mean(x, axis=1, keepdims=True)) * 0.5
    e_h = x @ Wh + bh  # [B, N, D]
    e_t = x @ Wt + bt  # [B, N, D]
    attn_logit = (e_h * SCALE) @ jnp.swapaxes(e_t, -2, -1)  # [B, N, N]
    topk_weight, topk_index = jax.lax.top_k(attn_logit, TOPK)  # [B, N, K]
    topk_prob = jax.nn.softmax(topk_weight, axis=2)
    # gather neighbors: Nb_h[b, i, j, :] = e_t[b, topk_index[b, i, j], :]
    Nb_h = jax.vmap(lambda et, idx: jnp.take(et, idx, axis=0))(e_t, topk_index)  # [B, N, K, D]
    eh_r = topk_prob[..., None] * Nb_h + (1.0 - topk_prob)[..., None] * e_h[:, :, None, :]
    e_h_expand = jnp.broadcast_to(e_h[:, :, None, :], (B, N, TOPK, DIM_H))
    gate = jnp.tanh(e_h_expand + eh_r)
    ka_weight = jnp.einsum('ijkl,ijkm->ijk', Nb_h, gate)  # [B, N, K]
    ka_prob = jax.nn.softmax(ka_weight, axis=2)[:, :, None, :]  # [B, N, 1, K]
    e_Nh = jnp.squeeze(ka_prob @ Nb_h, axis=2)  # [B, N, D]
    sum_embedding = _leaky((e_h + e_Nh) @ Wl1 + bl1)
    bi_embedding = _leaky((e_h * e_Nh) @ Wl2 + bl2)
    e_h2 = sum_embedding + bi_embedding  # [B, N, D]
    # GlobalAttention readout on squeezed batch (single graph)
    nodes = e_h2[0]  # [N, D]
    gate_logits = _leaky(nodes @ Wa1 + ba1) @ Wa2 + ba2  # [N, 1]
    att = jax.nn.softmax(gate_logits, axis=0)
    e_g = jnp.sum(att * nodes, axis=0, keepdims=True)  # [1, D]
    return e_g


if False:  # reference __main__ guard neutralized (emitter)
    out = reference(**setup_inputs())
    print(out.shape)

if __name__ == "__main__":
    import jax
    _d = setup_inputs()
    print(jax.jit(kernel)(*tuple(_d.values())))

</pallas_src>

<mosaic_0001>
#map = affine_map<(d0, d1) -> (0, 0)>
#map1 = affine_map<(d0, d1) -> (0)>
module attributes {stable_mosaic.version = 14 : i64} {
  func.func @k(%arg0: i32, %arg1: i32, %arg2: memref<4096x256xi32, #tpu.memory_space<hbm>>, %arg3: memref<24576xi32, #tpu.memory_space<hbm>>, %arg4: memref<24576x256xi32, #tpu.memory_space<hbm>>, %arg5: memref<768xi32, #tpu.memory_space<vmem>>, %arg6: memref<48x256xi32, #tpu.memory_space<vmem>>, %arg7: memref<48x256xi32, #tpu.memory_space<vmem>>, %arg8: memref<48x256xi32, #tpu.memory_space<vmem>>, %arg9: memref<48x256xi32, #tpu.memory_space<vmem>>, %arg10: memref<!tpu.dma_semaphore, #tpu.memory_space<semaphore_mem>>, %arg11: memref<!tpu.dma_semaphore, #tpu.memory_space<semaphore_mem>>, %arg12: memref<!tpu.dma_semaphore, #tpu.memory_space<semaphore_mem>>, %arg13: memref<!tpu.dma_semaphore, #tpu.memory_space<semaphore_mem>>, %arg14: memref<!tpu.dma_semaphore, #tpu.memory_space<semaphore_mem>>, %arg15: memref<!tpu.dma_semaphore, #tpu.memory_space<semaphore_mem>>, %arg16: memref<!tpu.dma_semaphore, #tpu.memory_space<semaphore_mem>>, %arg17: memref<!tpu.dma_semaphore, #tpu.memory_space<semaphore_mem>>) attributes {dimension_semantics = [#tpu.dimension_semantics<core_parallel>, #tpu.dimension_semantics<subcore_parallel>], iteration_bounds = array<i64: 2, 16>, scalar_prefetch = 0 : i64, scratch_operands = 13 : i64, tpu.core_type = #tpu.core_type<sc_vector_subcore>, window_params = [{transform_indices = #map}, {transform_indices = #map1}, {transform_indices = #map}]} {
    %mul3A = arith.constant 2 : i32
    %mul3A_0 = arith.muli %arg1, %mul3A : i32
    %add3A = arith.addi %mul3A_0, %arg0 : i32
    %mul3A_1 = arith.constant 768 : i32
    %mul3A_2 = arith.muli %add3A, %mul3A_1 : i32
    "tpu.region"() ({
      %run_scoped3A = tpu.sem_alloc : memref<!tpu.dma_semaphore, #tpu.memory_space<semaphore_mem>>
      %dma_start3A_321 = tpu.memref_slice %arg3[%mul3A_2] : memref<24576xi32, #tpu.memory_space<hbm>> -> memref<768xi32, #tpu.memory_space<hbm>>
      %dma_start3A_322 = tpu.memref_slice %arg3[%mul3A_2] : memref<24576xi32, #tpu.memory_space<hbm>> -> memref<768xi32, #tpu.memory_space<hbm>>
      tpu.enqueue_dma source(%dma_start3A_322 : memref<768xi32, #tpu.memory_space<hbm>>) target(%arg5 : memref<768xi32, #tpu.memory_space<vmem>>) target_semaphore(%run_scoped3A : memref<!tpu.dma_semaphore, #tpu.memory_space<semaphore_mem>>)
      %dma_wait3A_323 = tpu.memref_slice %arg3[%mul3A_2] : memref<24576xi32, #tpu.memory_space<hbm>> -> memref<768xi32, #tpu.memory_space<hbm>>
      %dma_wait3A_324 = tpu.memref_slice %arg3[%mul3A_2] : memref<24576xi32, #tpu.memory_space<hbm>> -> memref<768xi32, #tpu.memory_space<hbm>>
      tpu.wait_dma2 semaphore(%run_scoped3A : memref<!tpu.dma_semaphore, #tpu.memory_space<semaphore_mem>>) src(%dma_wait3A_324 : memref<768xi32, #tpu.memory_space<hbm>>) dst(%arg5 : memref<768xi32, #tpu.memory_space<vmem>>)
      tpu.yield
    }) : () -> ()
    %dma_start3A = arith.constant 0 : i32
    %dma_start3A_3 = tpu.memref_slice %arg5[%dma_start3A] : memref<768xi32, #tpu.memory_space<vmem>> -> memref<48xi32, #tpu.memory_space<vmem>>
    %dma_start3A_4 = arith.constant 0 : i32
    %dma_start3A_5 = arith.constant 0 : i32
    %dma_start3A_6 = tpu.memref_slice %arg2[%dma_start3A_4, %dma_start3A_5] : memref<4096x256xi32, #tpu.memory_space<hbm>> -> memref<4096x256xi32, #tpu.memory_space<hbm>>
    tpu.enqueue_indirect_dma source(%dma_start3A_6 : memref<4096x256xi32, #tpu.memory_space<hbm>>) target(%arg6 : memref<48x256xi32, #tpu.memory_space<vmem>>) offsets(%dma_start3A_3 : memref<48xi32, #tpu.memory_space<vmem>>) semaphore(%arg10 : memref<!tpu.dma_semaphore, #tpu.memory_space<semaphore_mem>>)
    %dma_start3A_7 = arith.constant 48 : i32
    %dma_start3A_8 = tpu.memref_slice %arg5[%dma_start3A_7] : memref<768xi32, #tpu.memory_space<vmem>> -> memref<48xi32, #tpu.memory_space<vmem>>
    %dma_start3A_9 = arith.constant 0 : i32
    %dma_start3A_10 = arith.constant 0 : i32
    %dma_start3A_11 = tpu.memref_slice %arg2[%dma_start3A_9, %dma_start3A_10] : memref<4096x256xi32, #tpu.memory_space<hbm>> -> memref<4096x256xi32, #tpu.memory_space<hbm>>
    tpu.enqueue_indirect_dma source(%dma_start3A_11 : memref<4096x256xi32, #tpu.memory_space<hbm>>) target(%arg7 : memref<48x256xi32, #tpu.memory_space<vmem>>) offsets(%dma_start3A_8 : memref<48xi32, #tpu.memory_space<vmem>>) semaphore(%arg11 : memref<!tpu.dma_semaphore, #tpu.memory_space<semaphore_mem>>)
    %dma_start3A_12 = arith.constant 96 : i32
    %dma_start3A_13 = tpu.memref_slice %arg5[%dma_start3A_12] : memref<768xi32, #tpu.memory_space<vmem>> -> memref<48xi32, #tpu.memory_space<vmem>>
    %dma_start3A_14 = arith.constant 0 : i32
    %dma_start3A_15 = arith.constant 0 : i32
    %dma_start3A_16 = tpu.memref_slice %arg2[%dma_start3A_14, %dma_start3A_15] : memref<4096x256xi32, #tpu.memory_space<hbm>> -> memref<4096x256xi32, #tpu.memory_space<hbm>>
    tpu.enqueue_indirect_dma source(%dma_start3A_16 : memref<4096x256xi32, #tpu.memory_space<hbm>>) target(%arg8 : memref<48x256xi32, #tpu.memory_space<vmem>>) offsets(%dma_start3A_13 : memref<48xi32, #tpu.memory_space<vmem>>) semaphore(%arg12 : memref<!tpu.dma_semaphore, #tpu.memory_space<semaphore_mem>>)
    %dma_start3A_17 = arith.constant 144 : i32
    %dma_start3A_18 = tpu.memref_slice %arg5[%dma_start3A_17] : memref<768xi32, #tpu.memory_space<vmem>> -> memref<48xi32, #tpu.memory_space<vmem>>
    %dma_start3A_19 = arith.constant 0 : i32
    %dma_start3A_20 = arith.constant 0 : i32
    %dma_start3A_21 = tpu.memref_slice %arg2[%dma_start3A_19, %dma_start3A_20] : memref<4096x256xi32, #tpu.memory_space<hbm>> -> memref<4096x256xi32, #tpu.memory_space<hbm>>
    tpu.enqueue_indirect_dma source(%dma_start3A_21 : memref<4096x256xi32, #tpu.memory_space<hbm>>) target(%arg9 : memref<48x256xi32, #tpu.memory_space<vmem>>) offsets(%dma_start3A_18 : memref<48xi32, #tpu.memory_space<vmem>>) semaphore(%arg13 : memref<!tpu.dma_semaphore, #tpu.memory_space<semaphore_mem>>)
    %dma_wait3A = arith.constant 0 : i32
    %dma_wait3A_22 = tpu.memref_slice %arg5[%dma_wait3A] : memref<768xi32, #tpu.memory_space<vmem>> -> memref<48xi32, #tpu.memory_space<vmem>>
    %dma_wait3A_23 = arith.constant 0 : i32
    %dma_wait3A_24 = arith.constant 0 : i32
    %dma_wait3A_25 = tpu.memref_slice %arg2[%dma_wait3A_23, %dma_wait3A_24] : memref<4096x256xi32, #tpu.memory_space<hbm>> -> memref<4096x256xi32, #tpu.memory_space<hbm>>
    tpu.wait_indirect_dma semaphore(%arg10 : memref<!tpu.dma_semaphore, #tpu.memory_space<semaphore_mem>>) src(%dma_wait3A_25 : memref<4096x256xi32, #tpu.memory_space<hbm>>) dst(%arg6 : memref<48x256xi32, #tpu.memory_space<vmem>>)
    %add3A_26 = arith.constant 0 : i32
    %add3A_27 = arith.addi %mul3A_2, %add3A_26 : i32
    %dma_start3A_28 = arith.constant 0 : i32
    %dma_start3A_29 = tpu.memref_slice %arg4[%add3A_27, %dma_start3A_28] : memref<24576x256xi32, #tpu.memory_space<hbm>> -> memref<48x256xi32, #tpu.memory_space<hbm>>
    %dma_start3A_30 = arith.constant 0 : i32
    %dma_start3A_31 = tpu.memref_slice %arg4[%add3A_27, %dma_start3A_30] : memref<24576x256xi32, #tpu.memory_space<hbm>> -> memref<48x256xi32, #tpu.memory_space<hbm>>
    tpu.enqueue_dma source(%arg6 : memref<48x256xi32, #tpu.memory_space<vmem>>) target(%dma_start3A_31 : memref<48x256xi32, #tpu.memory_space<hbm>>) target_semaphore(%arg14 : memref<!tpu.dma_semaphore, #tpu.memory_space<semaphore_mem>>)
    %dma_wait3A_32 = arith.constant 0 : i32
    %dma_wait3A_33 = tpu.memref_slice %arg4[%add3A_27, %dma_wait3A_32] : memref<24576x256xi32, #tpu.memory_space<hbm>> -> memref<48x256xi32, #tpu.memory_space<hbm>>
    %dma_wait3A_34 = arith.constant 0 : i32
    %dma_wait3A_35 = tpu.memref_slice %arg4[%add3A_27, %dma_wait3A_34] : memref<24576x256xi32, #tpu.memory_space<hbm>> -> memref<48x256xi32, #tpu.memory_space<hbm>>
    tpu.wait_dma2 semaphore(%arg14 : memref<!tpu.dma_semaphore, #tpu.memory_space<semaphore_mem>>) src(%arg6 : memref<48x256xi32, #tpu.memory_space<vmem>>) dst(%dma_wait3A_35 : memref<48x256xi32, #tpu.memory_space<hbm>>)
    %dma_start3A_36 = arith.constant 192 : i32
    %dma_start3A_37 = tpu.memref_slice %arg5[%dma_start3A_36] : memref<768xi32, #tpu.memory_space<vmem>> -> memref<48xi32, #tpu.memory_space<vmem>>
    %dma_start3A_38 = arith.constant 0 : i32
    %dma_start3A_39 = arith.constant 0 : i32
    %dma_start3A_40 = tpu.memref_slice %arg2[%dma_start3A_38, %dma_start3A_39] : memref<4096x256xi32, #tpu.memory_space<hbm>> -> memref<4096x256xi32, #tpu.memory_space<hbm>>
    tpu.enqueue_indirect_dma source(%dma_start3A_40 : memref<4096x256xi32, #tpu.memory_space<hbm>>) target(%arg6 : memref<48x256xi32, #tpu.memory_space<vmem>>) offsets(%dma_start3A_37 : memref<48xi32, #tpu.memory_space<vmem>>) semaphore(%arg10 : memref<!tpu.dma_semaphore, #tpu.memory_space<semaphore_mem>>)
    %dma_wait3A_41 = arith.constant 48 : i32
    %dma_wait3A_42 = tpu.memref_slice %arg5[%dma_wait3A_41] : memref<768xi32, #tpu.memory_space<vmem>> -> memref<48xi32, #tpu.memory_space<vmem>>
    %dma_wait3A_43 = arith.constant 0 : i32
    %dma_wait3A_44 = arith.constant 0 : i32
    %dma_wait3A_45 = tpu.memref_slice %arg2[%dma_wait3A_43, %dma_wait3A_44] : memref<4096x256xi32, #tpu.memory_space<hbm>> -> memref<4096x256xi32, #tpu.memory_space<hbm>>
    tpu.wait_indirect_dma semaphore(%arg11 : memref<!tpu.dma_semaphore, #tpu.memory_space<semaphore_mem>>) src(%dma_wait3A_45 : memref<4096x256xi32, #tpu.memory_space<hbm>>) dst(%arg7 : memref<48x256xi32, #tpu.memory_space<vmem>>)
    %add3A_46 = arith.constant 48 : i32
    %add3A_47 = arith.addi %mul3A_2, %add3A_46 : i32
    %dma_start3A_48 = arith.constant 0 : i32
    %dma_start3A_49 = tpu.memref_slice %arg4[%add3A_47, %dma_start3A_48] : memref<24576x256xi32, #tpu.memory_space<hbm>> -> memref<48x256xi32, #tpu.memory_space<hbm>>
    %dma_start3A_50 = arith.constant 0 : i32
    %dma_start3A_51 = tpu.memref_slice %arg4[%add3A_47, %dma_start3A_50] : memref<24576x256xi32, #tpu.memory_space<hbm>> -> memref<48x256xi32, #tpu.memory_space<hbm>>
    tpu.enqueue_dma source(%arg7 : memref<48x256xi32, #tpu.memory_space<vmem>>) target(%dma_start3A_51 : memref<48x256xi32, #tpu.memory_space<hbm>>) target_semaphore(%arg15 : memref<!tpu.dma_semaphore, #tpu.memory_space<semaphore_mem>>)
    %dma_wait3A_52 = arith.constant 0 : i32
    %dma_wait3A_53 = tpu.memref_slice %arg4[%add3A_47, %dma_wait3A_52] : memref<24576x256xi32, #tpu.memory_space<hbm>> -> memref<48x256xi32, #tpu.memory_space<hbm>>
    %dma_wait3A_54 = arith.constant 0 : i32
    %dma_wait3A_55 = tpu.memref_slice %arg4[%add3A_47, %dma_wait3A_54] : memref<24576x256xi32, #tpu.memory_space<hbm>> -> memref<48x256xi32, #tpu.memory_space<hbm>>
    tpu.wait_dma2 semaphore(%arg15 : memref<!tpu.dma_semaphore, #tpu.memory_space<semaphore_mem>>) src(%arg7 : memref<48x256xi32, #tpu.memory_space<vmem>>) dst(%dma_wait3A_55 : memref<48x256xi32, #tpu.memory_space<hbm>>)
    %dma_start3A_56 = arith.constant 240 : i32
    %dma_start3A_57 = tpu.memref_slice %arg5[%dma_start3A_56] : memref<768xi32, #tpu.memory_space<vmem>> -> memref<48xi32, #tpu.memory_space<vmem>>
    %dma_start3A_58 = arith.constant 0 : i32
    %dma_start3A_59 = arith.constant 0 : i32
    %dma_start3A_60 = tpu.memref_slice %arg2[%dma_start3A_58, %dma_start3A_59] : memref<4096x256xi32, #tpu.memory_space<hbm>> -> memref<4096x256xi32, #tpu.memory_space<hbm>>
    tpu.enqueue_indirect_dma source(%dma_start3A_60 : memref<4096x256xi32, #tpu.memory_space<hbm>>) target(%arg7 : memref<48x256xi32, #tpu.memory_space<vmem>>) offsets(%dma_start3A_57 : memref<48xi32, #tpu.memory_space<vmem>>) semaphore(%arg11 : memref<!tpu.dma_semaphore, #tpu.memory_space<semaphore_mem>>)
    %dma_wait3A_61 = arith.constant 96 : i32
    %dma_wait3A_62 = tpu.memref_slice %arg5[%dma_wait3A_61] : memref<768xi32, #tpu.memory_space<vmem>> -> memref<48xi32, #tpu.memory_space<vmem>>
    %dma_wait3A_63 = arith.constant 0 : i32
    %dma_wait3A_64 = arith.constant 0 : i32
    %dma_wait3A_65 = tpu.memref_slice %arg2[%dma_wait3A_63, %dma_wait3A_64] : memref<4096x256xi32, #tpu.memory_space<hbm>> -> memref<4096x256xi32, #tpu.memory_space<hbm>>
    tpu.wait_indirect_dma semaphore(%arg12 : memref<!tpu.dma_semaphore, #tpu.memory_space<semaphore_mem>>) src(%dma_wait3A_65 : memref<4096x256xi32, #tpu.memory_space<hbm>>) dst(%arg8 : memref<48x256xi32, #tpu.memory_space<vmem>>)
    %add3A_66 = arith.constant 96 : i32
    %add3A_67 = arith.addi %mul3A_2, %add3A_66 : i32
    %dma_start3A_68 = arith.constant 0 : i32
    %dma_start3A_69 = tpu.memref_slice %arg4[%add3A_67, %dma_start3A_68] : memref<24576x256xi32, #tpu.memory_space<hbm>> -> memref<48x256xi32, #tpu.memory_space<hbm>>
    %dma_start3A_70 = arith.constant 0 : i32
    %dma_start3A_71 = tpu.memref_slice %arg4[%add3A_67, %dma_start3A_70] : memref<24576x256xi32, #tpu.memory_space<hbm>> -> memref<48x256xi32, #tpu.memory_space<hbm>>
    tpu.enqueue_dma source(%arg8 : memref<48x256xi32, #tpu.memory_space<vmem>>) target(%dma_start3A_71 : memref<48x256xi32, #tpu.memory_space<hbm>>) target_semaphore(%arg16 : memref<!tpu.dma_semaphore, #tpu.memory_space<semaphore_mem>>)
    %dma_wait3A_72 = arith.constant 0 : i32
    %dma_wait3A_73 = tpu.memref_slice %arg4[%add3A_67, %dma_wait3A_72] : memref<24576x256xi32, #tpu.memory_space<hbm>> -> memref<48x256xi32, #tpu.memory_space<hbm>>
    %dma_wait3A_74 = arith.constant 0 : i32
    %dma_wait3A_75 = tpu.memref_slice %arg4[%add3A_67, %dma_wait3A_74] : memref<24576x256xi32, #tpu.memory_space<hbm>> -> memref<48x256xi32, #tpu.memory_space<hbm>>
    tpu.wait_dma2 semaphore(%arg16 : memref<!tpu.dma_semaphore, #tpu.memory_space<semaphore_mem>>) src(%arg8 : memref<48x256xi32, #tpu.memory_space<vmem>>) dst(%dma_wait3A_75 : memref<48x256xi32, #tpu.memory_space<hbm>>)
    %dma_start3A_76 = arith.constant 288 : i32
    %dma_start3A_77 = tpu.memref_slice %arg5[%dma_start3A_76] : memref<768xi32, #tpu.memory_space<vmem>> -> memref<48xi32, #tpu.memory_space<vmem>>
    %dma_start3A_78 = arith.constant 0 : i32
    %dma_start3A_79 = arith.constant 0 : i32
    %dma_start3A_80 = tpu.memref_slice %arg2[%dma_start3A_78, %dma_start3A_79] : memref<4096x256xi32, #tpu.memory_space<hbm>> -> memref<4096x256xi32, #tpu.memory_space<hbm>>
    tpu.enqueue_indirect_dma source(%dma_start3A_80 : memref<4096x256xi32, #tpu.memory_space<hbm>>) target(%arg8 : memref<48x256xi32, #tpu.memory_space<vmem>>) offsets(%dma_start3A_77 : memref<48xi32, #tpu.memory_space<vmem>>) semaphore(%arg12 : memref<!tpu.dma_semaphore, #tpu.memory_space<semaphore_mem>>)
    %dma_wait3A_81 = arith.constant 144 : i32
    %dma_wait3A_82 = tpu.memref_slice %arg5[%dma_wait3A_81] : memref<768xi32, #tpu.memory_space<vmem>> -> memref<48xi32, #tpu.memory_space<vmem>>
    %dma_wait3A_83 = arith.constant 0 : i32
    %dma_wait3A_84 = arith.constant 0 : i32
    %dma_wait3A_85 = tpu.memref_slice %arg2[%dma_wait3A_83, %dma_wait3A_84] : memref<4096x256xi32, #tpu.memory_space<hbm>> -> memref<4096x256xi32, #tpu.memory_space<hbm>>
    tpu.wait_indirect_dma semaphore(%arg13 : memref<!tpu.dma_semaphore, #tpu.memory_space<semaphore_mem>>) src(%dma_wait3A_85 : memref<4096x256xi32, #tpu.memory_space<hbm>>) dst(%arg9 : memref<48x256xi32, #tpu.memory_space<vmem>>)
    %add3A_86 = arith.constant 144 : i32
    %add3A_87 = arith.addi %mul3A_2, %add3A_86 : i32
    %dma_start3A_88 = arith.constant 0 : i32
    %dma_start3A_89 = tpu.memref_slice %arg4[%add3A_87, %dma_start3A_88] : memref<24576x256xi32, #tpu.memory_space<hbm>> -> memref<48x256xi32, #tpu.memory_space<hbm>>
    %dma_start3A_90 = arith.constant 0 : i32
    %dma_start3A_91 = tpu.memref_slice %arg4[%add3A_87, %dma_start3A_90] : memref<24576x256xi32, #tpu.memory_space<hbm>> -> memref<48x256xi32, #tpu.memory_space<hbm>>
    tpu.enqueue_dma source(%arg9 : memref<48x256xi32, #tpu.memory_space<vmem>>) target(%dma_start3A_91 : memref<48x256xi32, #tpu.memory_space<hbm>>) target_semaphore(%arg17 : memref<!tpu.dma_semaphore, #tpu.memory_space<semaphore_mem>>)
    %dma_wait3A_92 = arith.constant 0 : i32
    %dma_wait3A_93 = tpu.memref_slice %arg4[%add3A_87, %dma_wait3A_92] : memref<24576x256xi32, #tpu.memory_space<hbm>> -> memref<48x256xi32, #tpu.memory_space<hbm>>
    %dma_wait3A_94 = arith.constant 0 : i32
    %dma_wait3A_95 = tpu.memref_slice %arg4[%add3A_87, %dma_wait3A_94] : memref<24576x256xi32, #tpu.memory_space<hbm>> -> memref<48x256xi32, #tpu.memory_space<hbm>>
    tpu.wait_dma2 semaphore(%arg17 : memref<!tpu.dma_semaphore, #tpu.memory_space<semaphore_mem>>) src(%arg9 : memref<48x256xi32, #tpu.memory_space<vmem>>) dst(%dma_wait3A_95 : memref<48x256xi32, #tpu.memory_space<hbm>>)
    %dma_start3A_96 = arith.constant 336 : i32
    %dma_start3A_97 = tpu.memref_slice %arg5[%dma_start3A_96] : memref<768xi32, #tpu.memory_space<vmem>> -> memref<48xi32, #tpu.memory_space<vmem>>
    %dma_start3A_98 = arith.constant 0 : i32
    %dma_start3A_99 = arith.constant 0 : i32
    %dma_start3A_100 = tpu.memref_slice %arg2[%dma_start3A_98, %dma_start3A_99] : memref<4096x256xi32, #tpu.memory_space<hbm>> -> memref<4096x256xi32, #tpu.memory_space<hbm>>
    tpu.enqueue_indirect_dma source(%dma_start3A_100 : memref<4096x256xi32, #tpu.memory_space<hbm>>) target(%arg9 : memref<48x256xi32, #tpu.memory_space<vmem>>) offsets(%dma_start3A_97 : memref<48xi32, #tpu.memory_space<vmem>>) semaphore(%arg13 : memref<!tpu.dma_semaphore, #tpu.memory_space<semaphore_mem>>)
    %dma_wait3A_101 = arith.constant 192 : i32
    %dma_wait3A_102 = tpu.memref_slice %arg5[%dma_wait3A_101] : memref<768xi32, #tpu.memory_space<vmem>> -> memref<48xi32, #tpu.memory_space<vmem>>
    %dma_wait3A_103 = arith.constant 0 : i32
    %dma_wait3A_104 = arith.constant 0 : i32
    %dma_wait3A_105 = tpu.memref_slice %arg2[%dma_wait3A_103, %dma_wait3A_104] : memref<4096x256xi32, #tpu.memory_space<hbm>> -> memref<4096x256xi32, #tpu.memory_space<hbm>>
    tpu.wait_indirect_dma semaphore(%arg10 : memref<!tpu.dma_semaphore, #tpu.memory_space<semaphore_mem>>) src(%dma_wait3A_105 : memref<4096x256xi32, #tpu.memory_space<hbm>>) dst(%arg6 : memref<48x256xi32, #tpu.memory_space<vmem>>)
    %add3A_106 = arith.constant 192 : i32
    %add3A_107 = arith.addi %mul3A_2, %add3A_106 : i32
    %dma_start3A_108 = arith.constant 0 : i32
    %dma_start3A_109 = tpu.memref_slice %arg4[%add3A_107, %dma_start3A_108] : memref<24576x256xi32, #tpu.memory_space<hbm>> -> memref<48x256xi32, #tpu.memory_space<hbm>>
    %dma_start3A_110 = arith.constant 0 : i32
    %dma_start3A_111 = tpu.memref_slice %arg4[%add3A_107, %dma_start3A_110] : memref<24576x256xi32, #tpu.memory_space<hbm>> -> memref<48x256xi32, #tpu.memory_space<hbm>>
    tpu.enqueue_dma source(%arg6 : memref<48x256xi32, #tpu.memory_space<vmem>>) target(%dma_start3A_111 : memref<48x256xi32, #tpu.memory_space<hbm>>) target_semaphore(%arg14 : memref<!tpu.dma_semaphore, #tpu.memory_space<semaphore_mem>>)
    %dma_wait3A_112 = arith.constant 0 : i32
    %dma_wait3A_113 = tpu.memref_slice %arg4[%add3A_107, %dma_wait3A_112] : memref<24576x256xi32, #tpu.memory_space<hbm>> -> memref<48x256xi32, #tpu.memory_space<hbm>>
    %dma_wait3A_114 = arith.constant 0 : i32
    %dma_wait3A_115 = tpu.memref_slice %arg4[%add3A_107, %dma_wait3A_114] : memref<24576x256xi32, #tpu.memory_space<hbm>> -> memref<48x256xi32, #tpu.memory_space<hbm>>
    tpu.wait_dma2 semaphore(%arg14 : memref<!tpu.dma_semaphore, #tpu.memory_space<semaphore_mem>>) src(%arg6 : memref<48x256xi32, #tpu.memory_space<vmem>>) dst(%dma_wait3A_115 : memref<48x256xi32, #tpu.memory_space<hbm>>)
    %dma_start3A_116 = arith.constant 384 : i32
    %dma_start3A_117 = tpu.memref_slice %arg5[%dma_start3A_116] : memref<768xi32, #tpu.memory_space<vmem>> -> memref<48xi32, #tpu.memory_space<vmem>>
    %dma_start3A_118 = arith.constant 0 : i32
    %dma_start3A_119 = arith.constant 0 : i32
    %dma_start3A_120 = tpu.memref_slice %arg2[%dma_start3A_118, %dma_start3A_119] : memref<4096x256xi32, #tpu.memory_space<hbm>> -> memref<4096x256xi32, #tpu.memory_space<hbm>>
    tpu.enqueue_indirect_dma source(%dma_start3A_120 : memref<4096x256xi32, #tpu.memory_space<hbm>>) target(%arg6 : memref<48x256xi32, #tpu.memory_space<vmem>>) offsets(%dma_start3A_117 : memref<48xi32, #tpu.memory_space<vmem>>) semaphore(%arg10 : memref<!tpu.dma_semaphore, #tpu.memory_space<semaphore_mem>>)
    %dma_wait3A_121 = arith.constant 240 : i32
    %dma_wait3A_122 = tpu.memref_slice %arg5[%dma_wait3A_121] : memref<768xi32, #tpu.memory_space<vmem>> -> memref<48xi32, #tpu.memory_space<vmem>>
    %dma_wait3A_123 = arith.constant 0 : i32
    %dma_wait3A_124 = arith.constant 0 : i32
    %dma_wait3A_125 = tpu.memref_slice %arg2[%dma_wait3A_123, %dma_wait3A_124] : memref<4096x256xi32, #tpu.memory_space<hbm>> -> memref<4096x256xi32, #tpu.memory_space<hbm>>
    tpu.wait_indirect_dma semaphore(%arg11 : memref<!tpu.dma_semaphore, #tpu.memory_space<semaphore_mem>>) src(%dma_wait3A_125 : memref<4096x256xi32, #tpu.memory_space<hbm>>) dst(%arg7 : memref<48x256xi32, #tpu.memory_space<vmem>>)
    %add3A_126 = arith.constant 240 : i32
    %add3A_127 = arith.addi %mul3A_2, %add3A_126 : i32
    %dma_start3A_128 = arith.constant 0 : i32
    %dma_start3A_129 = tpu.memref_slice %arg4[%add3A_127, %dma_start3A_128] : memref<24576x256xi32, #tpu.memory_space<hbm>> -> memref<48x256xi32, #tpu.memory_space<hbm>>
    %dma_start3A_130 = arith.constant 0 : i32
    %dma_start3A_131 = tpu.memref_slice %arg4[%add3A_127, %dma_start3A_130] : memref<24576x256xi32, #tpu.memory_space<hbm>> -> memref<48x256xi32, #tpu.memory_space<hbm>>
    tpu.enqueue_dma source(%arg7 : memref<48x256xi32, #tpu.memory_space<vmem>>) target(%dma_start3A_131 : memref<48x256xi32, #tpu.memory_space<hbm>>) target_semaphore(%arg15 : memref<!tpu.dma_semaphore, #tpu.memory_space<semaphore_mem>>)
    %dma_wait3A_132 = arith.constant 0 : i32
    %dma_wait3A_133 = tpu.memref_slice %arg4[%add3A_127, %dma_wait3A_132] : memref<24576x256xi32, #tpu.memory_space<hbm>> -> memref<48x256xi32, #tpu.memory_space<hbm>>
    %dma_wait3A_134 = arith.constant 0 : i32
    %dma_wait3A_135 = tpu.memref_slice %arg4[%add3A_127, %dma_wait3A_134] : memref<24576x256xi32, #tpu.memory_space<hbm>> -> memref<48x256xi32, #tpu.memory_space<hbm>>
    tpu.wait_dma2 semaphore(%arg15 : memref<!tpu.dma_semaphore, #tpu.memory_space<semaphore_mem>>) src(%arg7 : memref<48x256xi32, #tpu.memory_space<vmem>>) dst(%dma_wait3A_135 : memref<48x256xi32, #tpu.memory_space<hbm>>)
    %dma_start3A_136 = arith.constant 432 : i32
    %dma_start3A_137 = tpu.memref_slice %arg5[%dma_start3A_136] : memref<768xi32, #tpu.memory_space<vmem>> -> memref<48xi32, #tpu.memory_space<vmem>>
    %dma_start3A_138 = arith.constant 0 : i32
    %dma_start3A_139 = arith.constant 0 : i32
    %dma_start3A_140 = tpu.memref_slice %arg2[%dma_start3A_138, %dma_start3A_139] : memref<4096x256xi32, #tpu.memory_space<hbm>> -> memref<4096x256xi32, #tpu.memory_space<hbm>>
    tpu.enqueue_indirect_dma source(%dma_start3A_140 : memref<4096x256xi32, #tpu.memory_space<hbm>>) target(%arg7 : memref<48x256xi32, #tpu.memory_space<vmem>>) offsets(%dma_start3A_137 : memref<48xi32, #tpu.memory_space<vmem>>) semaphore(%arg11 : memref<!tpu.dma_semaphore, #tpu.memory_space<semaphore_mem>>)
    %dma_wait3A_141 = arith.constant 288 : i32
    %dma_wait3A_142 = tpu.memref_slice %arg5[%dma_wait3A_141] : memref<768xi32, #tpu.memory_space<vmem>> -> memref<48xi32, #tpu.memory_space<vmem>>
    %dma_wait3A_143 = arith.constant 0 : i32
    %dma_wait3A_144 = arith.constant 0 : i32
    %dma_wait3A_145 = tpu.memref_slice %arg2[%dma_wait3A_143, %dma_wait3A_144] : memref<4096x256xi32, #tpu.memory_space<hbm>> -> memref<4096x256xi32, #tpu.memory_space<hbm>>
    tpu.wait_indirect_dma semaphore(%arg12 : memref<!tpu.dma_semaphore, #tpu.memory_space<semaphore_mem>>) src(%dma_wait3A_145 : memref<4096x256xi32, #tpu.memory_space<hbm>>) dst(%arg8 : memref<48x256xi32, #tpu.memory_space<vmem>>)
    %add3A_146 = arith.constant 288 : i32
    %add3A_147 = arith.addi %mul3A_2, %add3A_146 : i32
    %dma_start3A_148 = arith.constant 0 : i32
    %dma_start3A_149 = tpu.memref_slice %arg4[%add3A_147, %dma_start3A_148] : memref<24576x256xi32, #tpu.memory_space<hbm>> -> memref<48x256xi32, #tpu.memory_space<hbm>>
    %dma_start3A_150 = arith.constant 0 : i32
    %dma_start3A_151 = tpu.memref_slice %arg4[%add3A_147, %dma_start3A_150] : memref<24576x256xi32, #tpu.memory_space<hbm>> -> memref<48x256xi32, #tpu.memory_space<hbm>>
    tpu.enqueue_dma source(%arg8 : memref<48x256xi32, #tpu.memory_space<vmem>>) target(%dma_start3A_151 : memref<48x256xi32, #tpu.memory_space<hbm>>) target_semaphore(%arg16 : memref<!tpu.dma_semaphore, #tpu.memory_space<semaphore_mem>>)
    %dma_wait3A_152 = arith.constant 0 : i32
    %dma_wait3A_153 = tpu.memref_slice %arg4[%add3A_147, %dma_wait3A_152] : memref<24576x256xi32, #tpu.memory_space<hbm>> -> memref<48x256xi32, #tpu.memory_space<hbm>>
    %dma_wait3A_154 = arith.constant 0 : i32
    %dma_wait3A_155 = tpu.memref_slice %arg4[%add3A_147, %dma_wait3A_154] : memref<24576x256xi32, #tpu.memory_space<hbm>> -> memref<48x256xi32, #tpu.memory_space<hbm>>
    tpu.wait_dma2 semaphore(%arg16 : memref<!tpu.dma_semaphore, #tpu.memory_space<semaphore_mem>>) src(%arg8 : memref<48x256xi32, #tpu.memory_space<vmem>>) dst(%dma_wait3A_155 : memref<48x256xi32, #tpu.memory_space<hbm>>)
    %dma_start3A_156 = arith.constant 480 : i32
    %dma_start3A_157 = tpu.memref_slice %arg5[%dma_start3A_156] : memref<768xi32, #tpu.memory_space<vmem>> -> memref<48xi32, #tpu.memory_space<vmem>>
    %dma_start3A_158 = arith.constant 0 : i32
    %dma_start3A_159 = arith.constant 0 : i32
    %dma_start3A_160 = tpu.memref_slice %arg2[%dma_start3A_158, %dma_start3A_159] : memref<4096x256xi32, #tpu.memory_space<hbm>> -> memref<4096x256xi32, #tpu.memory_space<hbm>>
    tpu.enqueue_indirect_dma source(%dma_start3A_160 : memref<4096x256xi32, #tpu.memory_space<hbm>>) target(%arg8 : memref<48x256xi32, #tpu.memory_space<vmem>>) offsets(%dma_start3A_157 : memref<48xi32, #tpu.memory_space<vmem>>) semaphore(%arg12 : memref<!tpu.dma_semaphore, #tpu.memory_space<semaphore_mem>>)
    %dma_wait3A_161 = arith.constant 336 : i32
    %dma_wait3A_162 = tpu.memref_slice %arg5[%dma_wait3A_161] : memref<768xi32, #tpu.memory_space<vmem>> -> memref<48xi32, #tpu.memory_space<vmem>>
    %dma_wait3A_163 = arith.constant 0 : i32
    %dma_wait3A_164 = arith.constant 0 : i32
    %dma_wait3A_165 = tpu.memref_slice %arg2[%dma_wait3A_163, %dma_wait3A_164] : memref<4096x256xi32, #tpu.memory_space<hbm>> -> memref<4096x256xi32, #tpu.memory_space<hbm>>
    tpu.wait_indirect_dma semaphore(%arg13 : memref<!tpu.dma_semaphore, #tpu.memory_space<semaphore_mem>>) src(%dma_wait3A_165 : memref<4096x256xi32, #tpu.memory_space<hbm>>) dst(%arg9 : memref<48x256xi32, #tpu.memory_space<vmem>>)
    %add3A_166 = arith.constant 336 : i32
    %add3A_167 = arith.addi %mul3A_2, %add3A_166 : i32
    %dma_start3A_168 = arith.constant 0 : i32
    %dma_start3A_169 = tpu.memref_slice %arg4[%add3A_167, %dma_start3A_168] : memref<24576x256xi32, #tpu.memory_space<hbm>> -> memref<48x256xi32, #tpu.memory_space<hbm>>
    %dma_start3A_170 = arith.constant 0 : i32
    %dma_start3A_171 = tpu.memref_slice %arg4[%add3A_167, %dma_start3A_170] : memref<24576x256xi32, #tpu.memory_space<hbm>> -> memref<48x256xi32, #tpu.memory_space<hbm>>
    tpu.enqueue_dma source(%arg9 : memref<48x256xi32, #tpu.memory_space<vmem>>) target(%dma_start3A_171 : memref<48x256xi32, #tpu.memory_space<hbm>>) target_semaphore(%arg17 : memref<!tpu.dma_semaphore, #tpu.memory_space<semaphore_mem>>)
    %dma_wait3A_172 = arith.constant 0 : i32
    %dma_wait3A_173 = tpu.memref_slice %arg4[%add3A_167, %dma_wait3A_172] : memref<24576x256xi32, #tpu.memory_space<hbm>> -> memref<48x256xi32, #tpu.memory_space<hbm>>
    %dma_wait3A_174 = arith.constant 0 : i32
    %dma_wait3A_175 = tpu.memref_slice %arg4[%add3A_167, %dma_wait3A_174] : memref<24576x256xi32, #tpu.memory_space<hbm>> -> memref<48x256xi32, #tpu.memory_space<hbm>>
    tpu.wait_dma2 semaphore(%arg17 : memref<!tpu.dma_semaphore, #tpu.memory_space<semaphore_mem>>) src(%arg9 : memref<48x256xi32, #tpu.memory_space<vmem>>) dst(%dma_wait3A_175 : memref<48x256xi32, #tpu.memory_space<hbm>>)
    %dma_start3A_176 = arith.constant 528 : i32
    %dma_start3A_177 = tpu.memref_slice %arg5[%dma_start3A_176] : memref<768xi32, #tpu.memory_space<vmem>> -> memref<48xi32, #tpu.memory_space<vmem>>
    %dma_start3A_178 = arith.constant 0 : i32
    %dma_start3A_179 = arith.constant 0 : i32
    %dma_start3A_180 = tpu.memref_slice %arg2[%dma_start3A_178, %dma_start3A_179] : memref<4096x256xi32, #tpu.memory_space<hbm>> -> memref<4096x256xi32, #tpu.memory_space<hbm>>
    tpu.enqueue_indirect_dma source(%dma_start3A_180 : memref<4096x256xi32, #tpu.memory_space<hbm>>) target(%arg9 : memref<48x256xi32, #tpu.memory_space<vmem>>) offsets(%dma_start3A_177 : memref<48xi32, #tpu.memory_space<vmem>>) semaphore(%arg13 : memref<!tpu.dma_semaphore, #tpu.memory_space<semaphore_mem>>)
    %dma_wait3A_181 = arith.constant 384 : i32
    %dma_wait3A_182 = tpu.memref_slice %arg5[%dma_wait3A_181] : memref<768xi32, #tpu.memory_space<vmem>> -> memref<48xi32, #tpu.memory_space<vmem>>
    %dma_wait3A_183 = arith.constant 0 : i32
    %dma_wait3A_184 = arith.constant 0 : i32
    %dma_wait3A_185 = tpu.memref_slice %arg2[%dma_wait3A_183, %dma_wait3A_184] : memref<4096x256xi32, #tpu.memory_space<hbm>> -> memref<4096x256xi32, #tpu.memory_space<hbm>>
    tpu.wait_indirect_dma semaphore(%arg10 : memref<!tpu.dma_semaphore, #tpu.memory_space<semaphore_mem>>) src(%dma_wait3A_185 : memref<4096x256xi32, #tpu.memory_space<hbm>>) dst(%arg6 : memref<48x256xi32, #tpu.memory_space<vmem>>)
    %add3A_186 = arith.constant 384 : i32
    %add3A_187 = arith.addi %mul3A_2, %add3A_186 : i32
    %dma_start3A_188 = arith.constant 0 : i32
    %dma_start3A_189 = tpu.memref_slice %arg4[%add3A_187, %dma_start3A_188] : memref<24576x256xi32, #tpu.memory_space<hbm>> -> memref<48x256xi32, #tpu.memory_space<hbm>>
    %dma_start3A_190 = arith.constant 0 : i32
    %dma_start3A_191 = tpu.memref_slice %arg4[%add3A_187, %dma_start3A_190] : memref<24576x256xi32, #tpu.memory_space<hbm>> -> memref<48x256xi32, #tpu.memory_space<hbm>>
    tpu.enqueue_dma source(%arg6 : memref<48x256xi32, #tpu.memory_space<vmem>>) target(%dma_start3A_191 : memref<48x256xi32, #tpu.memory_space<hbm>>) target_semaphore(%arg14 : memref<!tpu.dma_semaphore, #tpu.memory_space<semaphore_mem>>)
    %dma_wait3A_192 = arith.constant 0 : i32
    %dma_wait3A_193 = tpu.memref_slice %arg4[%add3A_187, %dma_wait3A_192] : memref<24576x256xi32, #tpu.memory_space<hbm>> -> memref<48x256xi32, #tpu.memory_space<hbm>>
    %dma_wait3A_194 = arith.constant 0 : i32
    %dma_wait3A_195 = tpu.memref_slice %arg4[%add3A_187, %dma_wait3A_194] : memref<24576x256xi32, #tpu.memory_space<hbm>> -> memref<48x256xi32, #tpu.memory_space<hbm>>
    tpu.wait_dma2 semaphore(%arg14 : memref<!tpu.dma_semaphore, #tpu.memory_space<semaphore_mem>>) src(%arg6 : memref<48x256xi32, #tpu.memory_space<vmem>>) dst(%dma_wait3A_195 : memref<48x256xi32, #tpu.memory_space<hbm>>)
    %dma_start3A_196 = arith.constant 576 : i32
    %dma_start3A_197 = tpu.memref_slice %arg5[%dma_start3A_196] : memref<768xi32, #tpu.memory_space<vmem>> -> memref<48xi32, #tpu.memory_space<vmem>>
    %dma_start3A_198 = arith.constant 0 : i32
    %dma_start3A_199 = arith.constant 0 : i32
    %dma_start3A_200 = tpu.memref_slice %arg2[%dma_start3A_198, %dma_start3A_199] : memref<4096x256xi32, #tpu.memory_space<hbm>> -> memref<4096x256xi32, #tpu.memory_space<hbm>>
    tpu.enqueue_indirect_dma source(%dma_start3A_200 : memref<4096x256xi32, #tpu.memory_space<hbm>>) target(%arg6 : memref<48x256xi32, #tpu.memory_space<vmem>>) offsets(%dma_start3A_197 : memref<48xi32, #tpu.memory_space<vmem>>) semaphore(%arg10 : memref<!tpu.dma_semaphore, #tpu.memory_space<semaphore_mem>>)
    %dma_wait3A_201 = arith.constant 432 : i32
    %dma_wait3A_202 = tpu.memref_slice %arg5[%dma_wait3A_201] : memref<768xi32, #tpu.memory_space<vmem>> -> memref<48xi32, #tpu.memory_space<vmem>>
    %dma_wait3A_203 = arith.constant 0 : i32
    %dma_wait3A_204 = arith.constant 0 : i32
    %dma_wait3A_205 = tpu.memref_slice %arg2[%dma_wait3A_203, %dma_wait3A_204] : memref<4096x256xi32, #tpu.memory_space<hbm>> -> memref<4096x256xi32, #tpu.memory_space<hbm>>
    tpu.wait_indirect_dma semaphore(%arg11 : memref<!tpu.dma_semaphore, #tpu.memory_space<semaphore_mem>>) src(%dma_wait3A_205 : memref<4096x256xi32, #tpu.memory_space<hbm>>) dst(%arg7 : memref<48x256xi32, #tpu.memory_space<vmem>>)
    %add3A_206 = arith.constant 432 : i32
    %add3A_207 = arith.addi %mul3A_2, %add3A_206 : i32
    %dma_start3A_208 = arith.constant 0 : i32
    %dma_start3A_209 = tpu.memref_slice %arg4[%add3A_207, %dma_start3A_208] : memref<24576x256xi32, #tpu.memory_space<hbm>> -> memref<48x256xi32, #tpu.memory_space<hbm>>
    %dma_start3A_210 = arith.constant 0 : i32
    %dma_start3A_211 = tpu.memref_slice %arg4[%add3A_207, %dma_start3A_210] : memref<24576x256xi32, #tpu.memory_space<hbm>> -> memref<48x256xi32, #tpu.memory_space<hbm>>
    tpu.enqueue_dma source(%arg7 : memref<48x256xi32, #tpu.memory_space<vmem>>) target(%dma_start3A_211 : memref<48x256xi32, #tpu.memory_space<hbm>>) target_semaphore(%arg15 : memref<!tpu.dma_semaphore, #tpu.memory_space<semaphore_mem>>)
    %dma_wait3A_212 = arith.constant 0 : i32
    %dma_wait3A_213 = tpu.memref_slice %arg4[%add3A_207, %dma_wait3A_212] : memref<24576x256xi32, #tpu.memory_space<hbm>> -> memref<48x256xi32, #tpu.memory_space<hbm>>
    %dma_wait3A_214 = arith.constant 0 : i32
    %dma_wait3A_215 = tpu.memref_slice %arg4[%add3A_207, %dma_wait3A_214] : memref<24576x256xi32, #tpu.memory_space<hbm>> -> memref<48x256xi32, #tpu.memory_space<hbm>>
    tpu.wait_dma2 semaphore(%arg15 : memref<!tpu.dma_semaphore, #tpu.memory_space<semaphore_mem>>) src(%arg7 : memref<48x256xi32, #tpu.memory_space<vmem>>) dst(%dma_wait3A_215 : memref<48x256xi32, #tpu.memory_space<hbm>>)
    %dma_start3A_216 = arith.constant 624 : i32
    %dma_start3A_217 = tpu.memref_slice %arg5[%dma_start3A_216] : memref<768xi32, #tpu.memory_space<vmem>> -> memref<48xi32, #tpu.memory_space<vmem>>
    %dma_start3A_218 = arith.constant 0 : i32
    %dma_start3A_219 = arith.constant 0 : i32
    %dma_start3A_220 = tpu.memref_slice %arg2[%dma_start3A_218, %dma_start3A_219] : memref<4096x256xi32, #tpu.memory_space<hbm>> -> memref<4096x256xi32, #tpu.memory_space<hbm>>
    tpu.enqueue_indirect_dma source(%dma_start3A_220 : memref<4096x256xi32, #tpu.memory_space<hbm>>) target(%arg7 : memref<48x256xi32, #tpu.memory_space<vmem>>) offsets(%dma_start3A_217 : memref<48xi32, #tpu.memory_space<vmem>>) semaphore(%arg11 : memref<!tpu.dma_semaphore, #tpu.memory_space<semaphore_mem>>)
    %dma_wait3A_221 = arith.constant 480 : i32
    %dma_wait3A_222 = tpu.memref_slice %arg5[%dma_wait3A_221] : memref<768xi32, #tpu.memory_space<vmem>> -> memref<48xi32, #tpu.memory_space<vmem>>
    %dma_wait3A_223 = arith.constant 0 : i32
    %dma_wait3A_224 = arith.constant 0 : i32
    %dma_wait3A_225 = tpu.memref_slice %arg2[%dma_wait3A_223, %dma_wait3A_224] : memref<4096x256xi32, #tpu.memory_space<hbm>> -> memref<4096x256xi32, #tpu.memory_space<hbm>>
    tpu.wait_indirect_dma semaphore(%arg12 : memref<!tpu.dma_semaphore, #tpu.memory_space<semaphore_mem>>) src(%dma_wait3A_225 : memref<4096x256xi32, #tpu.memory_space<hbm>>) dst(%arg8 : memref<48x256xi32, #tpu.memory_space<vmem>>)
    %add3A_226 = arith.constant 480 : i32
    %add3A_227 = arith.addi %mul3A_2, %add3A_226 : i32
    %dma_start3A_228 = arith.constant 0 : i32
    %dma_start3A_229 = tpu.memref_slice %arg4[%add3A_227, %dma_start3A_228] : memref<24576x256xi32, #tpu.memory_space<hbm>> -> memref<48x256xi32, #tpu.memory_space<hbm>>
    %dma_start3A_230 = arith.constant 0 : i32
    %dma_start3A_231 = tpu.memref_slice %arg4[%add3A_227, %dma_start3A_230] : memref<24576x256xi32, #tpu.memory_space<hbm>> -> memref<48x256xi32, #tpu.memory_space<hbm>>
    tpu.enqueue_dma source(%arg8 : memref<48x256xi32, #tpu.memory_space<vmem>>) target(%dma_start3A_231 : memref<48x256xi32, #tpu.memory_space<hbm>>) target_semaphore(%arg16 : memref<!tpu.dma_semaphore, #tpu.memory_space<semaphore_mem>>)
    %dma_wait3A_232 = arith.constant 0 : i32
    %dma_wait3A_233 = tpu.memref_slice %arg4[%add3A_227, %dma_wait3A_232] : memref<24576x256xi32, #tpu.memory_space<hbm>> -> memref<48x256xi32, #tpu.memory_space<hbm>>
    %dma_wait3A_234 = arith.constant 0 : i32
    %dma_wait3A_235 = tpu.memref_slice %arg4[%add3A_227, %dma_wait3A_234] : memref<24576x256xi32, #tpu.memory_space<hbm>> -> memref<48x256xi32, #tpu.memory_space<hbm>>
    tpu.wait_dma2 semaphore(%arg16 : memref<!tpu.dma_semaphore, #tpu.memory_space<semaphore_mem>>) src(%arg8 : memref<48x256xi32, #tpu.memory_space<vmem>>) dst(%dma_wait3A_235 : memref<48x256xi32, #tpu.memory_space<hbm>>)
    %dma_start3A_236 = arith.constant 672 : i32
    %dma_start3A_237 = tpu.memref_slice %arg5[%dma_start3A_236] : memref<768xi32, #tpu.memory_space<vmem>> -> memref<48xi32, #tpu.memory_space<vmem>>
    %dma_start3A_238 = arith.constant 0 : i32
    %dma_start3A_239 = arith.constant 0 : i32
    %dma_start3A_240 = tpu.memref_slice %arg2[%dma_start3A_238, %dma_start3A_239] : memref<4096x256xi32, #tpu.memory_space<hbm>> -> memref<4096x256xi32, #tpu.memory_space<hbm>>
    tpu.enqueue_indirect_dma source(%dma_start3A_240 : memref<4096x256xi32, #tpu.memory_space<hbm>>) target(%arg8 : memref<48x256xi32, #tpu.memory_space<vmem>>) offsets(%dma_start3A_237 : memref<48xi32, #tpu.memory_space<vmem>>) semaphore(%arg12 : memref<!tpu.dma_semaphore, #tpu.memory_space<semaphore_mem>>)
    %dma_wait3A_241 = arith.constant 528 : i32
    %dma_wait3A_242 = tpu.memref_slice %arg5[%dma_wait3A_241] : memref<768xi32, #tpu.memory_space<vmem>> -> memref<48xi32, #tpu.memory_space<vmem>>
    %dma_wait3A_243 = arith.constant 0 : i32
    %dma_wait3A_244 = arith.constant 0 : i32
    %dma_wait3A_245 = tpu.memref_slice %arg2[%dma_wait3A_243, %dma_wait3A_244] : memref<4096x256xi32, #tpu.memory_space<hbm>> -> memref<4096x256xi32, #tpu.memory_space<hbm>>
    tpu.wait_indirect_dma semaphore(%arg13 : memref<!tpu.dma_semaphore, #tpu.memory_space<semaphore_mem>>) src(%dma_wait3A_245 : memref<4096x256xi32, #tpu.memory_space<hbm>>) dst(%arg9 : memref<48x256xi32, #tpu.memory_space<vmem>>)
    %add3A_246 = arith.constant 528 : i32
    %add3A_247 = arith.addi %mul3A_2, %add3A_246 : i32
    %dma_start3A_248 = arith.constant 0 : i32
    %dma_start3A_249 = tpu.memref_slice %arg4[%add3A_247, %dma_start3A_248] : memref<24576x256xi32, #tpu.memory_space<hbm>> -> memref<48x256xi32, #tpu.memory_space<hbm>>
    %dma_start3A_250 = arith.constant 0 : i32
    %dma_start3A_251 = tpu.memref_slice %arg4[%add3A_247, %dma_start3A_250] : memref<24576x256xi32, #tpu.memory_space<hbm>> -> memref<48x256xi32, #tpu.memory_space<hbm>>
    tpu.enqueue_dma source(%arg9 : memref<48x256xi32, #tpu.memory_space<vmem>>) target(%dma_start3A_251 : memref<48x256xi32, #tpu.memory_space<hbm>>) target_semaphore(%arg17 : memref<!tpu.dma_semaphore, #tpu.memory_space<semaphore_mem>>)
    %dma_wait3A_252 = arith.constant 0 : i32
    %dma_wait3A_253 = tpu.memref_slice %arg4[%add3A_247, %dma_wait3A_252] : memref<24576x256xi32, #tpu.memory_space<hbm>> -> memref<48x256xi32, #tpu.memory_space<hbm>>
    %dma_wait3A_254 = arith.constant 0 : i32
    %dma_wait3A_255 = tpu.memref_slice %arg4[%add3A_247, %dma_wait3A_254] : memref<24576x256xi32, #tpu.memory_space<hbm>> -> memref<48x256xi32, #tpu.memory_space<hbm>>
    tpu.wait_dma2 semaphore(%arg17 : memref<!tpu.dma_semaphore, #tpu.memory_space<semaphore_mem>>) src(%arg9 : memref<48x256xi32, #tpu.memory_space<vmem>>) dst(%dma_wait3A_255 : memref<48x256xi32, #tpu.memory_space<hbm>>)
    %dma_start3A_256 = arith.constant 720 : i32
    %dma_start3A_257 = tpu.memref_slice %arg5[%dma_start3A_256] : memref<768xi32, #tpu.memory_space<vmem>> -> memref<48xi32, #tpu.memory_space<vmem>>
    %dma_start3A_258 = arith.constant 0 : i32
    %dma_start3A_259 = arith.constant 0 : i32
    %dma_start3A_260 = tpu.memref_slice %arg2[%dma_start3A_258, %dma_start3A_259] : memref<4096x256xi32, #tpu.memory_space<hbm>> -> memref<4096x256xi32, #tpu.memory_space<hbm>>
    tpu.enqueue_indirect_dma source(%dma_start3A_260 : memref<4096x256xi32, #tpu.memory_space<hbm>>) target(%arg9 : memref<48x256xi32, #tpu.memory_space<vmem>>) offsets(%dma_start3A_257 : memref<48xi32, #tpu.memory_space<vmem>>) semaphore(%arg13 : memref<!tpu.dma_semaphore, #tpu.memory_space<semaphore_mem>>)
    %dma_wait3A_261 = arith.constant 576 : i32
    %dma_wait3A_262 = tpu.memref_slice %arg5[%dma_wait3A_261] : memref<768xi32, #tpu.memory_space<vmem>> -> memref<48xi32, #tpu.memory_space<vmem>>
    %dma_wait3A_263 = arith.constant 0 : i32
    %dma_wait3A_264 = arith.constant 0 : i32
    %dma_wait3A_265 = tpu.memref_slice %arg2[%dma_wait3A_263, %dma_wait3A_264] : memref<4096x256xi32, #tpu.memory_space<hbm>> -> memref<4096x256xi32, #tpu.memory_space<hbm>>
    tpu.wait_indirect_dma semaphore(%arg10 : memref<!tpu.dma_semaphore, #tpu.memory_space<semaphore_mem>>) src(%dma_wait3A_265 : memref<4096x256xi32, #tpu.memory_space<hbm>>) dst(%arg6 : memref<48x256xi32, #tpu.memory_space<vmem>>)
    %add3A_266 = arith.constant 576 : i32
    %add3A_267 = arith.addi %mul3A_2, %add3A_266 : i32
    %dma_start3A_268 = arith.constant 0 : i32
    %dma_start3A_269 = tpu.memref_slice %arg4[%add3A_267, %dma_start3A_268] : memref<24576x256xi32, #tpu.memory_space<hbm>> -> memref<48x256xi32, #tpu.memory_space<hbm>>
    %dma_start3A_270 = arith.constant 0 : i32
    %dma_start3A_271 = tpu.memref_slice %arg4[%add3A_267, %dma_start3A_270] : memref<24576x256xi32, #tpu.memory_space<hbm>> -> memref<48x256xi32, #tpu.memory_space<hbm>>
    tpu.enqueue_dma source(%arg6 : memref<48x256xi32, #tpu.memory_space<vmem>>) target(%dma_start3A_271 : memref<48x256xi32, #tpu.memory_space<hbm>>) target_semaphore(%arg14 : memref<!tpu.dma_semaphore, #tpu.memory_space<semaphore_mem>>)
    %dma_wait3A_272 = arith.constant 624 : i32
    %dma_wait3A_273 = tpu.memref_slice %arg5[%dma_wait3A_272] : memref<768xi32, #tpu.memory_space<vmem>> -> memref<48xi32, #tpu.memory_space<vmem>>
    %dma_wait3A_274 = arith.constant 0 : i32
    %dma_wait3A_275 = arith.constant 0 : i32
    %dma_wait3A_276 = tpu.memref_slice %arg2[%dma_wait3A_274, %dma_wait3A_275] : memref<4096x256xi32, #tpu.memory_space<hbm>> -> memref<4096x256xi32, #tpu.memory_space<hbm>>
    tpu.wait_indirect_dma semaphore(%arg11 : memref<!tpu.dma_semaphore, #tpu.memory_space<semaphore_mem>>) src(%dma_wait3A_276 : memref<4096x256xi32, #tpu.memory_space<hbm>>) dst(%arg7 : memref<48x256xi32, #tpu.memory_space<vmem>>)
    %add3A_277 = arith.constant 624 : i32
    %add3A_278 = arith.addi %mul3A_2, %add3A_277 : i32
    %dma_start3A_279 = arith.constant 0 : i32
    %dma_start3A_280 = tpu.memref_slice %arg4[%add3A_278, %dma_start3A_279] : memref<24576x256xi32, #tpu.memory_space<hbm>> -> memref<48x256xi32, #tpu.memory_space<hbm>>
    %dma_start3A_281 = arith.constant 0 : i32
    %dma_start3A_282 = tpu.memref_slice %arg4[%add3A_278, %dma_start3A_281] : memref<24576x256xi32, #tpu.memory_space<hbm>> -> memref<48x256xi32, #tpu.memory_space<hbm>>
    tpu.enqueue_dma source(%arg7 : memref<48x256xi32, #tpu.memory_space<vmem>>) target(%dma_start3A_282 : memref<48x256xi32, #tpu.memory_space<hbm>>) target_semaphore(%arg15 : memref<!tpu.dma_semaphore, #tpu.memory_space<semaphore_mem>>)
    %dma_wait3A_283 = arith.constant 672 : i32
    %dma_wait3A_284 = tpu.memref_slice %arg5[%dma_wait3A_283] : memref<768xi32, #tpu.memory_space<vmem>> -> memref<48xi32, #tpu.memory_space<vmem>>
    %dma_wait3A_285 = arith.constant 0 : i32
    %dma_wait3A_286 = arith.constant 0 : i32
    %dma_wait3A_287 = tpu.memref_slice %arg2[%dma_wait3A_285, %dma_wait3A_286] : memref<4096x256xi32, #tpu.memory_space<hbm>> -> memref<4096x256xi32, #tpu.memory_space<hbm>>
    tpu.wait_indirect_dma semaphore(%arg12 : memref<!tpu.dma_semaphore, #tpu.memory_space<semaphore_mem>>) src(%dma_wait3A_287 : memref<4096x256xi32, #tpu.memory_space<hbm>>) dst(%arg8 : memref<48x256xi32, #tpu.memory_space<vmem>>)
    %add3A_288 = arith.constant 672 : i32
    %add3A_289 = arith.addi %mul3A_2, %add3A_288 : i32
    %dma_start3A_290 = arith.constant 0 : i32
    %dma_start3A_291 = tpu.memref_slice %arg4[%add3A_289, %dma_start3A_290] : memref<24576x256xi32, #tpu.memory_space<hbm>> -> memref<48x256xi32, #tpu.memory_space<hbm>>
    %dma_start3A_292 = arith.constant 0 : i32
    %dma_start3A_293 = tpu.memref_slice %arg4[%add3A_289, %dma_start3A_292] : memref<24576x256xi32, #tpu.memory_space<hbm>> -> memref<48x256xi32, #tpu.memory_space<hbm>>
    tpu.enqueue_dma source(%arg8 : memref<48x256xi32, #tpu.memory_space<vmem>>) target(%dma_start3A_293 : memref<48x256xi32, #tpu.memory_space<hbm>>) target_semaphore(%arg16 : memref<!tpu.dma_semaphore, #tpu.memory_space<semaphore_mem>>)
    %dma_wait3A_294 = arith.constant 720 : i32
    %dma_wait3A_295 = tpu.memref_slice %arg5[%dma_wait3A_294] : memref<768xi32, #tpu.memory_space<vmem>> -> memref<48xi32, #tpu.memory_space<vmem>>
    %dma_wait3A_296 = arith.constant 0 : i32
    %dma_wait3A_297 = arith.constant 0 : i32
    %dma_wait3A_298 = tpu.memref_slice %arg2[%dma_wait3A_296, %dma_wait3A_297] : memref<4096x256xi32, #tpu.memory_space<hbm>> -> memref<4096x256xi32, #tpu.memory_space<hbm>>
    tpu.wait_indirect_dma semaphore(%arg13 : memref<!tpu.dma_semaphore, #tpu.memory_space<semaphore_mem>>) src(%dma_wait3A_298 : memref<4096x256xi32, #tpu.memory_space<hbm>>) dst(%arg9 : memref<48x256xi32, #tpu.memory_space<vmem>>)
    %add3A_299 = arith.constant 720 : i32
    %add3A_300 = arith.addi %mul3A_2, %add3A_299 : i32
    %dma_start3A_301 = arith.constant 0 : i32
    %dma_start3A_302 = tpu.memref_slice %arg4[%add3A_300, %dma_start3A_301] : memref<24576x256xi32, #tpu.memory_space<hbm>> -> memref<48x256xi32, #tpu.memory_space<hbm>>
    %dma_start3A_303 = arith.constant 0 : i32
    %dma_start3A_304 = tpu.memref_slice %arg4[%add3A_300, %dma_start3A_303] : memref<24576x256xi32, #tpu.memory_space<hbm>> -> memref<48x256xi32, #tpu.memory_space<hbm>>
    tpu.enqueue_dma source(%arg9 : memref<48x256xi32, #tpu.memory_space<vmem>>) target(%dma_start3A_304 : memref<48x256xi32, #tpu.memory_space<hbm>>) target_semaphore(%arg17 : memref<!tpu.dma_semaphore, #tpu.memory_space<semaphore_mem>>)
    %dma_wait3A_305 = arith.constant 0 : i32
    %dma_wait3A_306 = tpu.memref_slice %arg4[%add3A_267, %dma_wait3A_305] : memref<24576x256xi32, #tpu.memory_space<hbm>> -> memref<48x256xi32, #tpu.memory_space<hbm>>
    %dma_wait3A_307 = arith.constant 0 : i32
    %dma_wait3A_308 = tpu.memref_slice %arg4[%add3A_267, %dma_wait3A_307] : memref<24576x256xi32, #tpu.memory_space<hbm>> -> memref<48x256xi32, #tpu.memory_space<hbm>>
    tpu.wait_dma2 semaphore(%arg14 : memref<!tpu.dma_semaphore, #tpu.memory_space<semaphore_mem>>) src(%arg6 : memref<48x256xi32, #tpu.memory_space<vmem>>) dst(%dma_wait3A_308 : memref<48x256xi32, #tpu.memory_space<hbm>>)
    %dma_wait3A_309 = arith.constant 0 : i32
    %dma_wait3A_310 = tpu.memref_slice %arg4[%add3A_278, %dma_wait3A_309] : memref<24576x256xi32, #tpu.memory_space<hbm>> -> memref<48x256xi32, #tpu.memory_space<hbm>>
    %dma_wait3A_311 = arith.constant 0 : i32
    %dma_wait3A_312 = tpu.memref_slice %arg4[%add3A_278, %dma_wait3A_311] : memref<24576x256xi32, #tpu.memory_space<hbm>> -> memref<48x256xi32, #tpu.memory_space<hbm>>
    tpu.wait_dma2 semaphore(%arg15 : memref<!tpu.dma_semaphore, #tpu.memory_space<semaphore_mem>>) src(%arg7 : memref<48x256xi32, #tpu.memory_space<vmem>>) dst(%dma_wait3A_312 : memref<48x256xi32, #tpu.memory_space<hbm>>)
    %dma_wait3A_313 = arith.constant 0 : i32
    %dma_wait3A_314 = tpu.memref_slice %arg4[%add3A_289, %dma_wait3A_313] : memref<24576x256xi32, #tpu.memory_space<hbm>> -> memref<48x256xi32, #tpu.memory_space<hbm>>
    %dma_wait3A_315 = arith.constant 0 : i32
    %dma_wait3A_316 = tpu.memref_slice %arg4[%add3A_289, %dma_wait3A_315] : memref<24576x256xi32, #tpu.memory_space<hbm>> -> memref<48x256xi32, #tpu.memory_space<hbm>>
    tpu.wait_dma2 semaphore(%arg16 : memref<!tpu.dma_semaphore, #tpu.memory_space<semaphore_mem>>) src(%arg8 : memref<48x256xi32, #tpu.memory_space<vmem>>) dst(%dma_wait3A_316 : memref<48x256xi32, #tpu.memory_space<hbm>>)
    %dma_wait3A_317 = arith.constant 0 : i32
    %dma_wait3A_318 = tpu.memref_slice %arg4[%add3A_300, %dma_wait3A_317] : memref<24576x256xi32, #tpu.memory_space<hbm>> -> memref<48x256xi32, #tpu.memory_space<hbm>>
    %dma_wait3A_319 = arith.constant 0 : i32
    %dma_wait3A_320 = tpu.memref_slice %arg4[%add3A_300, %dma_wait3A_319] : memref<24576x256xi32, #tpu.memory_space<hbm>> -> memref<48x256xi32, #tpu.memory_space<hbm>>
    tpu.wait_dma2 semaphore(%arg17 : memref<!tpu.dma_semaphore, #tpu.memory_space<semaphore_mem>>) src(%arg9 : memref<48x256xi32, #tpu.memory_space<vmem>>) dst(%dma_wait3A_320 : memref<48x256xi32, #tpu.memory_space<hbm>>)
    return
  }
}

module attributes {stable_mosaic.version = 14 : i64} {
  func.func @_k_abc(%arg0: i32, %arg1: i32, %arg2: memref<128x384xf32, #tpu.memory_space<vmem>>, %arg3: memref<384x512xf32, #tpu.memory_space<vmem>>, %arg4: memref<1x512xf32, #tpu.memory_space<vmem>>, %arg5: memref<512x512xf32, #tpu.memory_space<vmem>>, %arg6: memref<1x512xf32, #tpu.memory_space<vmem>>, %arg7: memref<512x512xf32, #tpu.memory_space<vmem>>, %arg8: memref<1x512xf32, #tpu.memory_space<vmem>>, %arg9: memref<128x512xf32, #tpu.memory_space<vmem>>, %arg10: memref<128x256xi32, #tpu.memory_space<vmem>>, %arg11: memref<128x6xf32, #tpu.memory_space<vmem>>, %arg12: memref<128x6xi32, #tpu.memory_space<vmem>>, %arg13: memref<4096x512xf32, #tpu.memory_space<vmem>>, %arg14: memref<4096x512xf32, #tpu.memory_space<vmem>>, %arg15: memref<1x512xf32, #tpu.memory_space<vmem>>) attributes {dimension_semantics = [#tpu.dimension_semantics<arbitrary>, #tpu.dimension_semantics<arbitrary>], iteration_bounds = array<i64: 3, 32>, scalar_prefetch = 0 : i64, scratch_operands = 3 : i64, tpu.core_type = #tpu.core_type<tc>, window_params = [{transform_indices = @transform_0, window_bounds = array<i64: 128, 384>}, {pipeline_mode = #tpu.pipeline_mode<synchronous>, transform_indices = @transform_1, window_bounds = array<i64: 384, 512>}, {pipeline_mode = #tpu.pipeline_mode<synchronous>, transform_indices = @transform_2, window_bounds = array<i64: 1, 512>}, {pipeline_mode = #tpu.pipeline_mode<synchronous>, transform_indices = @transform_3, window_bounds = array<i64: 512, 512>}, {pipeline_mode = #tpu.pipeline_mode<synchronous>, transform_indices = @transform_4, window_bounds = array<i64: 1, 512>}, {pipeline_mode = #tpu.pipeline_mode<synchronous>, transform_indices = @transform_5, window_bounds = array<i64: 512, 512>}, {pipeline_mode = #tpu.pipeline_mode<synchronous>, transform_indices = @transform_6, window_bounds = array<i64: 1, 512>}, {transform_indices = @transform_7, window_bounds = array<i64: 128, 512>}, {transform_indices = @transform_8, window_bounds = array<i64: 128, 256>}, {transform_indices = @transform_9, window_bounds = array<i64: 128, 6>}, {transform_indices = @transform_10, window_bounds = array<i64: 128, 6>}]} {
    %eq3A = arith.constant 0 : i32
    %eq3A_0 = arith.cmpi eq, %arg0, %eq3A : i32
    %convert_element_type3A = arith.extui %eq3A_0 : i1 to i32
    %cond3A = arith.constant 0 : i32
    %cond3A_1 = arith.cmpi ne, %convert_element_type3A, %cond3A : i32
    scf.if %cond3A_1 {
      %get3A = arith.constant 0 : index
      %get3A_12 = arith.constant 0 : index
      %get3A_13 = vector.load %arg2[%get3A, %get3A_12] : memref<128x384xf32, #tpu.memory_space<vmem>>, vector<128x384xf32>
      %get3A_14 = arith.constant 0 : index
      %get3A_15 = arith.constant 0 : index
      %get3A_16 = vector.load %arg3[%get3A_14, %get3A_15] : memref<384x512xf32, #tpu.memory_space<vmem>>, vector<384x512xf32>
      %dot_general3A = arith.constant dense<0.000000e+00> : vector<128x512xf32>
      %dot_general3A_17 = tpu.matmul %get3A_13, %get3A_16, %dot_general3A {dimension_numbers = #tpu.dot_dimension_numbers<[1], [0], [0], [1], [0, 0, 1, 1], [], []>, transpose_lhs_hint = false} : vector<128x384xf32>, vector<384x512xf32>, vector<128x512xf32> -> vector<128x512xf32>
      %get3A_18 = arith.constant 0 : index
      %get3A_19 = arith.constant 0 : index
      %get3A_20 = vector.load %arg4[%get3A_18, %get3A_19] : memref<1x512xf32, #tpu.memory_space<vmem>>, vector<1x512xf32>
      %add3A = vector.broadcast %get3A_20 : vector<1x512xf32> to vector<128x512xf32>
      %add3A_21 = arith.addf %dot_general3A_17, %add3A : vector<128x512xf32>
      %jit3A = arith.constant 0.00999999977 : f32
      %ge3A = arith.constant 0.000000e+00 : f32
      %ge3A_22 = vector.broadcast %ge3A : f32 to vector<128x512xf32>
      %ge3A_23 = arith.cmpf oge, %add3A_21, %ge3A_22 : vector<128x512xf32>
      %mul3A = vector.broadcast %jit3A : f32 to vector<128x512xf32>
      %mul3A_24 = arith.mulf %mul3A, %add3A_21 : vector<128x512xf32>
      %select_n3A = arith.select %ge3A_23, %add3A_21, %mul3A_24 : vector<128x512xi1>, vector<128x512xf32>
      %eq3A_25 = arith.constant 0 : i32
      %eq3A_26 = arith.cmpi eq, %arg1, %eq3A_25 : i32
      %convert_element_type3A_27 = arith.extui %eq3A_26 : i1 to i32
      %cond3A_28 = arith.constant 0 : i32
      %cond3A_29 = arith.cmpi ne, %convert_element_type3A_27, %cond3A_28 : i32
      scf.if %cond3A_29 {
        %broadcast_in_dim3A_37 = arith.constant 0.000000e+00 : f32
        %broadcast_in_dim3A_38 = vector.broadcast %broadcast_in_dim3A_37 : f32 to vector<1x512xf32>
        %swap3A_39 = arith.constant 0 : index
        %swap3A_40 = arith.constant 0 : index
        %swap3A_41 = vector.load %arg15[%swap3A_39, %swap3A_40] : memref<1x512xf32, #tpu.memory_space<vmem>>, vector<1x512xf32>
        tpu.vector_store %arg15[%swap3A_39, %swap3A_40], %broadcast_in_dim3A_38 {strides = array<i32>} : memref<1x512xf32, #tpu.memory_space<vmem>>, vector<1x512xf32>,
      } else {
      }
      %get3A_30 = arith.constant 0 : index
      %get3A_31 = arith.constant 0 : index
      %get3A_32 = vector.load %arg15[%get3A_30, %get3A_31] : memref<1x512xf32, #tpu.memory_space<vmem>>, vector<1x512xf32>
      %reduce_sum3A = arith.constant dense<0.000000e+00> : vector<512xf32>
      %reduce_sum3A_33 = vector.multi_reduction <add>, %select_n3A, %reduce_sum3A [0] : vector<128x512xf32> to vector<512xf32>
      %broadcast_in_dim3A = vector.shape_cast %reduce_sum3A_33 : vector<512xf32> to vector<1x512xf32>
      %add3A_34 = arith.addf %get3A_32, %broadcast_in_dim3A : vector<1x512xf32>
      %swap3A = arith.constant 0 : index
      %swap3A_35 = arith.constant 0 : index
      %swap3A_36 = vector.load %arg15[%swap3A, %swap3A_35] : memref<1x512xf32, #tpu.memory_space<vmem>>, vector<1x512xf32>
      tpu.vector_store %arg15[%swap3A, %swap3A_35], %add3A_34 {strides = array<i32>} : memref<1x512xf32, #tpu.memory_space<vmem>>, vector<1x512xf32>,
    } else {
    }
    %eq3A_2 = arith.constant 1 : i32
    %eq3A_3 = arith.cmpi eq, %arg0, %eq3A_2 : i32
    %convert_element_type3A_4 = arith.extui %eq3A_3 : i1 to i32
    %cond3A_5 = arith.constant 0 : i32
    %cond3A_6 = arith.cmpi ne, %convert_element_type3A_4, %cond3A_5 : i32
    scf.if %cond3A_6 {
      %get3A = arith.constant 0 : index
      %get3A_12 = arith.constant 0 : index
      %get3A_13 = vector.load %arg2[%get3A, %get3A_12] : memref<128x384xf32, #tpu.memory_space<vmem>>, vector<128x384xf32>
      %get3A_14 = arith.constant 0 : index
      %get3A_15 = arith.constant 0 : index
      %get3A_16 = vector.load %arg3[%get3A_14, %get3A_15] : memref<384x512xf32, #tpu.memory_space<vmem>>, vector<384x512xf32>
      %dot_general3A = arith.constant dense<0.000000e+00> : vector<128x512xf32>
      %dot_general3A_17 = tpu.matmul %get3A_13, %get3A_16, %dot_general3A {dimension_numbers = #tpu.dot_dimension_numbers<[1], [0], [0], [1], [0, 0, 1, 1], [], []>, transpose_lhs_hint = false} : vector<128x384xf32>, vector<384x512xf32>, vector<128x512xf32> -> vector<128x512xf32>
      %get3A_18 = arith.constant 0 : index
      %get3A_19 = arith.constant 0 : index
      %get3A_20 = vector.load %arg4[%get3A_18, %get3A_19] : memref<1x512xf32, #tpu.memory_space<vmem>>, vector<1x512xf32>
      %add3A = vector.broadcast %get3A_20 : vector<1x512xf32> to vector<128x512xf32>
      %add3A_21 = arith.addf %dot_general3A_17, %add3A : vector<128x512xf32>
      %jit3A = arith.constant 0.00999999977 : f32
      %ge3A = arith.constant 0.000000e+00 : f32
      %ge3A_22 = vector.broadcast %ge3A : f32 to vector<128x512xf32>
      %ge3A_23 = arith.cmpf oge, %add3A_21, %ge3A_22 : vector<128x512xf32>
      %mul3A = vector.broadcast %jit3A : f32 to vector<128x512xf32>
      %mul3A_24 = arith.mulf %mul3A, %add3A_21 : vector<128x512xf32>
      %select_n3A = arith.select %ge3A_23, %add3A_21, %mul3A_24 : vector<128x512xi1>, vector<128x512xf32>
      %get3A_25 = arith.constant 0 : index
      %get3A_26 = arith.constant 0 : index
      %get3A_27 = vector.load %arg15[%get3A_25, %get3A_26] : memref<1x512xf32, #tpu.memory_space<vmem>>, vector<1x512xf32>
      %mul3A_28 = arith.constant 2.44140625E-4 : f32
      %mul3A_29 = vector.broadcast %mul3A_28 : f32 to vector<1x512xf32>
      %mul3A_30 = arith.mulf %get3A_27, %mul3A_29 : vector<1x512xf32>
      %add3A_31 = vector.broadcast %mul3A_30 : vector<1x512xf32> to vector<128x512xf32>
      %add3A_32 = arith.addf %select_n3A, %add3A_31 : vector<128x512xf32>
      %mul3A_33 = arith.constant 5.000000e-01 : f32
      %mul3A_34 = vector.broadcast %mul3A_33 : f32 to vector<128x512xf32>
      %mul3A_35 = arith.mulf %add3A_32, %mul3A_34 : vector<128x512xf32>
      %get3A_36 = arith.constant 0 : index
      %get3A_37 = arith.constant 0 : index
      %get3A_38 = vector.load %arg5[%get3A_36, %get3A_37] : memref<512x512xf32, #tpu.memory_space<vmem>>, vector<512x512xf32>
      %dot_general3A_39 = arith.constant dense<0.000000e+00> : vector<128x512xf32>
      %dot_general3A_40 = tpu.matmul %mul3A_35, %get3A_38, %dot_general3A_39 {dimension_numbers = #tpu.dot_dimension_numbers<[1], [0], [0], [1], [0, 0, 1, 1], [], []>, transpose_lhs_hint = false} : vector<128x512xf32>, vector<512x512xf32>, vector<128x512xf32> -> vector<128x512xf32>
      %get3A_41 = arith.constant 0 : index
      %get3A_42 = arith.constant 0 : index
      %get3A_43 = vector.load %arg6[%get3A_41, %get3A_42] : memref<1x512xf32, #tpu.memory_space<vmem>>, vector<1x512xf32>
      %add3A_44 = vector.broadcast %get3A_43 : vector<1x512xf32> to vector<128x512xf32>
      %add3A_45 = arith.addf %dot_general3A_40, %add3A_44 : vector<128x512xf32>
      %get3A_46 = arith.constant 0 : index
      %get3A_47 = arith.constant 0 : index
      %get3A_48 = vector.load %arg7[%get3A_46, %get3A_47] : memref<512x512xf32, #tpu.memory_space<vmem>>, vector<512x512xf32>
      %dot_general3A_49 = arith.constant dense<0.000000e+00> : vector<128x512xf32>
      %dot_general3A_50 = tpu.matmul %mul3A_35, %get3A_48, %dot_general3A_49 {dimension_numbers = #tpu.dot_dimension_numbers<[1], [0], [0], [1], [0, 0, 1, 1], [], []>, transpose_lhs_hint = false} : vector<128x512xf32>, vector<512x512xf32>, vector<128x512xf32> -> vector<128x512xf32>
      %get3A_51 = arith.constant 0 : index
      %get3A_52 = arith.constant 0 : index
      %get3A_53 = vector.load %arg8[%get3A_51, %get3A_52] : memref<1x512xf32, #tpu.memory_space<vmem>>, vector<1x512xf32>
      %add3A_54 = vector.broadcast %get3A_53 : vector<1x512xf32> to vector<128x512xf32>
      %add3A_55 = arith.addf %dot_general3A_50, %add3A_54 : vector<128x512xf32>
      %swap3A = arith.constant 0 : index
      %swap3A_56 = arith.constant 0 : index
      %swap3A_57 = vector.load %arg9[%swap3A, %swap3A_56] : memref<128x512xf32, #tpu.memory_space<vmem>>, vector<128x512xf32>
      tpu.vector_store %arg9[%swap3A, %swap3A_56], %add3A_45 {strides = array<i32>} : memref<128x512xf32, #tpu.memory_space<vmem>>, vector<128x512xf32>,
      %slice3A = vector.extract_strided_slice %add3A_55 {offsets = [0, 0], sizes = [128, 256], strides = [1, 1]} : vector<128x512xf32> to vector<128x256xf32>
      %bitcast_convert_type3A = tpu.bitcast %slice3A : vector<128x256xf32> -> vector<128x256xi32>
      %add3A_58 = arith.constant 32767 : i32
      %add3A_59 = vector.broadcast %add3A_58 : i32 to vector<128x256xi32>
      %add3A_60 = arith.addi %bitcast_convert_type3A, %add3A_59 : vector<128x256xi32>
      %shift_right_arithmetic3A = arith.constant 16 : i32
      %shift_right_arithmetic3A_61 = vector.broadcast %shift_right_arithmetic3A : i32 to vector<128x256xi32>
      %shift_right_arithmetic3A_62 = arith.shrsi %bitcast_convert_type3A, %shift_right_arithmetic3A_61 : vector<128x256xi32>
      %and3A = arith.constant 1 : i32
      %and3A_63 = vector.broadcast %and3A : i32 to vector<128x256xi32>
      %and3A_64 = arith.andi %shift_right_arithmetic3A_62, %and3A_63 : vector<128x256xi32>
      %add3A_65 = arith.addi %add3A_60, %and3A_64 : vector<128x256xi32>
      %shift_right_arithmetic3A_66 = arith.constant 16 : i32
      %shift_right_arithmetic3A_67 = vector.broadcast %shift_right_arithmetic3A_66 : i32 to vector<128x256xi32>
      %shift_right_arithmetic3A_68 = arith.shrsi %add3A_65, %shift_right_arithmetic3A_67 : vector<128x256xi32>
      %slice3A_69 = vector.extract_strided_slice %add3A_55 {offsets = [0, 256], sizes = [128, 256], strides = [1, 1]} : vector<128x512xf32> to vector<128x256xf32>
      %bitcast_convert_type3A_70 = tpu.bitcast %slice3A_69 : vector<128x256xf32> -> vector<128x256xi32>
      %add3A_71 = arith.constant 32767 : i32
      %add3A_72 = vector.broadcast %add3A_71 : i32 to vector<128x256xi32>
      %add3A_73 = arith.addi %bitcast_convert_type3A_70, %add3A_72 : vector<128x256xi32>
      %shift_right_arithmetic3A_74 = arith.constant 16 : i32
      %shift_right_arithmetic3A_75 = vector.broadcast %shift_right_arithmetic3A_74 : i32 to vector<128x256xi32>
      %shift_right_arithmetic3A_76 = arith.shrsi %bitcast_convert_type3A_70, %shift_right_arithmetic3A_75 : vector<128x256xi32>
      %and3A_77 = arith.constant 1 : i32
      %and3A_78 = vector.broadcast %and3A_77 : i32 to vector<128x256xi32>
      %and3A_79 = arith.andi %shift_right_arithmetic3A_76, %and3A_78 : vector<128x256xi32>
      %add3A_80 = arith.addi %add3A_73, %and3A_79 : vector<128x256xi32>
      %shift_right_arithmetic3A_81 = arith.constant 16 : i32
      %shift_right_arithmetic3A_82 = vector.broadcast %shift_right_arithmetic3A_81 : i32 to vector<128x256xi32>
      %shift_right_arithmetic3A_83 = arith.shrsi %add3A_80, %shift_right_arithmetic3A_82 : vector<128x256xi32>
      %and3A_84 = arith.constant 65535 : i32
      %and3A_85 = vector.broadcast %and3A_84 : i32 to vector<128x256xi32>
      %and3A_86 = arith.andi %shift_right_arithmetic3A_68, %and3A_85 : vector<128x256xi32>
      %shift_left3A = arith.constant 16 : i32
      %shift_left3A_87 = vector.broadcast %shift_left3A : i32 to vector<128x256xi32>
      %shift_left3A_88 = arith.shli %shift_right_arithmetic3A_83, %shift_left3A_87 : vector<128x256xi32>
      %or3A = arith.ori %and3A_86, %shift_left3A_88 : vector<128x256xi32>
      %swap3A_89 = arith.constant 0 : index
      %swap3A_90 = arith.constant 0 : index
      %swap3A_91 = vector.load %arg10[%swap3A_89, %swap3A_90] : memref<128x256xi32, #tpu.memory_space<vmem>>, vector<128x256xi32>
      tpu.vector_store %arg10[%swap3A_89, %swap3A_90], %or3A {strides = array<i32>} : memref<128x256xi32, #tpu.memory_space<vmem>>, vector<128x256xi32>,
      %mul3A_92 = arith.constant 128 : i32
      %mul3A_93 = arith.muli %arg1, %mul3A_92 : i32
      %swap3A_94 = arith.index_cast %mul3A_93 : i32 to index
      %swap3A_95 = arith.constant 0 : index
      %swap3A_96 = vector.load %arg13[%swap3A_94, %swap3A_95] : memref<4096x512xf32, #tpu.memory_space<vmem>>, vector<128x512xf32>
      tpu.vector_store %arg13[%swap3A_94, %swap3A_95], %add3A_45 {strides = array<i32>} : memref<4096x512xf32, #tpu.memory_space<vmem>>, vector<128x512xf32>,
      %mul3A_97 = arith.constant 128 : i32
      %mul3A_98 = arith.muli %arg1, %mul3A_97 : i32
      %swap3A_99 = arith.index_cast %mul3A_98 : i32 to index
      %swap3A_100 = arith.constant 0 : index
      %swap3A_101 = vector.load %arg14[%swap3A_99, %swap3A_100] : memref<4096x512xf32, #tpu.memory_space<vmem>>, vector<128x512xf32>
      tpu.vector_store %arg14[%swap3A_99, %swap3A_100], %add3A_55 {strides = array<i32>} : memref<4096x512xf32, #tpu.memory_space<vmem>>, vector<128x512xf32>,
    } else {
    }
    %eq3A_7 = arith.constant 2 : i32
    %eq3A_8 = arith.cmpi eq, %arg0, %eq3A_7 : i32
    %convert_element_type3A_9 = arith.extui %eq3A_8 : i1 to i32
    %cond3A_10 = arith.constant 0 : i32
    %cond3A_11 = arith.cmpi ne, %convert_element_type3A_9, %cond3A_10 : i32
    scf.if %cond3A_11 {
      %get3A = arith.constant 0 : index
      %get3A_12 = arith.constant 0 : index
      %get3A_13 = vector.load %arg13[%get3A, %get3A_12] : memref<4096x512xf32, #tpu.memory_space<vmem>>, vector<128x512xf32>
      %swap3A = arith.constant 0 : index
      %swap3A_14 = arith.constant 0 : index
      %swap3A_15 = vector.load %arg9[%swap3A, %swap3A_14] : memref<128x512xf32, #tpu.memory_space<vmem>>, vector<128x512xf32>
      tpu.vector_store %arg9[%swap3A, %swap3A_14], %get3A_13 {strides = array<i32>} : memref<128x512xf32, #tpu.memory_space<vmem>>, vector<128x512xf32>,
      %get3A_16 = arith.constant 0 : index
      %get3A_17 = arith.constant 0 : index
      %get3A_18 = vector.load %arg14[%get3A_16, %get3A_17] : memref<4096x512xf32, #tpu.memory_space<vmem>>, vector<128x512xf32>
      %slice3A = vector.extract_strided_slice %get3A_18 {offsets = [0, 0], sizes = [128, 256], strides = [1, 1]} : vector<128x512xf32> to vector<128x256xf32>
      %bitcast_convert_type3A = tpu.bitcast %slice3A : vector<128x256xf32> -> vector<128x256xi32>
      %add3A = arith.constant 32767 : i32
      %add3A_19 = vector.broadcast %add3A : i32 to vector<128x256xi32>
      %add3A_20 = arith.addi %bitcast_convert_type3A, %add3A_19 : vector<128x256xi32>
      %shift_right_arithmetic3A = arith.constant 16 : i32
      %shift_right_arithmetic3A_21 = vector.broadcast %shift_right_arithmetic3A : i32 to vector<128x256xi32>
      %shift_right_arithmetic3A_22 = arith.shrsi %bitcast_convert_type3A, %shift_right_arithmetic3A_21 : vector<128x256xi32>
      %and3A = arith.constant 1 : i32
      %and3A_23 = vector.broadcast %and3A : i32 to vector<128x256xi32>
      %and3A_24 = arith.andi %shift_right_arithmetic3A_22, %and3A_23 : vector<128x256xi32>
      %add3A_25 = arith.addi %add3A_20, %and3A_24 : vector<128x256xi32>
      %shift_right_arithmetic3A_26 = arith.constant 16 : i32
      %shift_right_arithmetic3A_27 = vector.broadcast %shift_right_arithmetic3A_26 : i32 to vector<128x256xi32>
      %shift_right_arithmetic3A_28 = arith.shrsi %add3A_25, %shift_right_arithmetic3A_27 : vector<128x256xi32>
      %slice3A_29 = vector.extract_strided_slice %get3A_18 {offsets = [0, 256], sizes = [128, 256], strides = [1, 1]} : vector<128x512xf32> to vector<128x256xf32>
      %bitcast_convert_type3A_30 = tpu.bitcast %slice3A_29 : vector<128x256xf32> -> vector<128x256xi32>
      %add3A_31 = arith.constant 32767 : i32
      %add3A_32 = vector.broadcast %add3A_31 : i32 to vector<128x256xi32>
      %add3A_33 = arith.addi %bitcast_convert_type3A_30, %add3A_32 : vector<128x256xi32>
      %shift_right_arithmetic3A_34 = arith.constant 16 : i32
      %shift_right_arithmetic3A_35 = vector.broadcast %shift_right_arithmetic3A_34 : i32 to vector<128x256xi32>
      %shift_right_arithmetic3A_36 = arith.shrsi %bitcast_convert_type3A_30, %shift_right_arithmetic3A_35 : vector<128x256xi32>
      %and3A_37 = arith.constant 1 : i32
      %and3A_38 = vector.broadcast %and3A_37 : i32 to vector<128x256xi32>
      %and3A_39 = arith.andi %shift_right_arithmetic3A_36, %and3A_38 : vector<128x256xi32>
      %add3A_40 = arith.addi %add3A_33, %and3A_39 : vector<128x256xi32>
      %shift_right_arithmetic3A_41 = arith.constant 16 : i32
      %shift_right_arithmetic3A_42 = vector.broadcast %shift_right_arithmetic3A_41 : i32 to vector<128x256xi32>
      %shift_right_arithmetic3A_43 = arith.shrsi %add3A_40, %shift_right_arithmetic3A_42 : vector<128x256xi32>
      %and3A_44 = arith.constant 65535 : i32
      %and3A_45 = vector.broadcast %and3A_44 : i32 to vector<128x256xi32>
      %and3A_46 = arith.andi %shift_right_arithmetic3A_28, %and3A_45 : vector<128x256xi32>
      %shift_left3A = arith.constant 16 : i32
      %shift_left3A_47 = vector.broadcast %shift_left3A : i32 to vector<128x256xi32>
      %shift_left3A_48 = arith.shli %shift_right_arithmetic3A_43, %shift_left3A_47 : vector<128x256xi32>
      %or3A = arith.ori %and3A_46, %shift_left3A_48 : vector<128x256xi32>
      %swap3A_49 = arith.constant 0 : index
      %swap3A_50 = arith.constant 0 : index
      %swap3A_51 = vector.load %arg10[%swap3A_49, %swap3A_50] : memref<128x256xi32, #tpu.memory_space<vmem>>, vector<128x256xi32>
      tpu.vector_store %arg10[%swap3A_49, %swap3A_50], %or3A {strides = array<i32>} : memref<128x256xi32, #tpu.memory_space<vmem>>, vector<128x256xi32>,
      %mul3A = arith.constant 128 : i32
      %mul3A_52 = arith.muli %arg1, %mul3A : i32
      %get3A_53 = arith.index_cast %mul3A_52 : i32 to index
      %get3A_54 = arith.constant 0 : index
      %get3A_55 = vector.load %arg13[%get3A_53, %get3A_54] : memref<4096x512xf32, #tpu.memory_space<vmem>>, vector<128x512xf32>
      %mul3A_56 = arith.constant 0.0441941731 : f32
      %mul3A_57 = vector.broadcast %mul3A_56 : f32 to vector<128x512xf32>
      %mul3A_58 = arith.mulf %get3A_55, %mul3A_57 : vector<128x512xf32>
      %get3A_59 = arith.constant 0 : index
      %get3A_60 = arith.constant 0 : index
      %get3A_61 = vector.load %arg14[%get3A_59, %get3A_60] : memref<4096x512xf32, #tpu.memory_space<vmem>>, vector<4096x512xf32>
      %dot_general3A = arith.constant dense<0.000000e+00> : vector<128x4096xf32>
      %dot_general3A_62 = tpu.matmul %mul3A_58, %get3A_61, %dot_general3A {dimension_numbers = #tpu.dot_dimension_numbers<[1], [1], [0], [0], [0, 0, 1, 0], [], []>, transpose_lhs_hint = false} : vector<128x512xf32>, vector<4096x512xf32>, vector<128x4096xf32> -> vector<128x4096xf32>
      %iota3A = tpu.iota {dimensions = array<i32: 1>} : vector<128x4096xi32>
      %iota3A_63 = tpu.iota {dimensions = array<i32: 1>} : vector<128x6xi32>
      %broadcast_in_dim3A = arith.constant 0xFF800000 : f32
      %broadcast_in_dim3A_64 = vector.broadcast %broadcast_in_dim3A : f32 to vector<128x6xf32>
      %broadcast_in_dim3A_65 = arith.constant 0 : i32
      %broadcast_in_dim3A_66 = vector.broadcast %broadcast_in_dim3A_65 : i32 to vector<128x6xi32>
      %reduce_max3A = arith.constant dense<0xFF800000> : vector<128xf32>
      %reduce_max3A_67 = vector.multi_reduction <maximumf>, %dot_general3A_62, %reduce_max3A [1] : vector<128x4096xf32> to vector<128xf32>
      %broadcast_in_dim3A_68 = vector.shape_cast %reduce_max3A_67 : vector<128xf32> to vector<128x1xf32>
      %argmax3A = tpu.reduce_index %dot_general3A_62 {axis = 1 : i32, kind = #tpu.reduction_kind<arg_max>} : vector<128x4096xf32> -> vector<128xi32>
      %broadcast_in_dim3A_69 = vector.shape_cast %argmax3A : vector<128xi32> to vector<128x1xi32>
      %eq3A_70 = arith.constant 0 : i32
      %eq3A_71 = vector.broadcast %eq3A_70 : i32 to vector<128x6xi32>
      %eq3A_72 = arith.cmpi eq, %iota3A_63, %eq3A_71 : vector<128x6xi32>
      %broadcast_in_dim3A_73 = vector.shape_cast %broadcast_in_dim3A_68 : vector<128x1xf32> to vector<128x1xf32>
      %broadcast_in_dim3A_74 = vector.broadcast %broadcast_in_dim3A_73 : vector<128x1xf32> to vector<128x6xf32>
      %select_n3A = arith.select %eq3A_72, %broadcast_in_dim3A_74, %broadcast_in_dim3A_64 : vector<128x6xi1>, vector<128x6xf32>
      %eq3A_75 = arith.constant 0 : i32
      %eq3A_76 = vector.broadcast %eq3A_75 : i32 to vector<128x6xi32>
      %eq3A_77 = arith.cmpi eq, %iota3A_63, %eq3A_76 : vector<128x6xi32>
      %broadcast_in_dim3A_78 = vector.shape_cast %broadcast_in_dim3A_69 : vector<128x1xi32> to vector<128x1xi32>
      %broadcast_in_dim3A_79 = vector.broadcast %broadcast_in_dim3A_78 : vector<128x1xi32> to vector<128x6xi32>
      %select_n3A_80 = arith.select %eq3A_77, %broadcast_in_dim3A_79, %broadcast_in_dim3A_66 : vector<128x6xi1>, vector<128x6xi32>
      %eq3A_81 = vector.broadcast %broadcast_in_dim3A_69 : vector<128x1xi32> to vector<128x4096xi32>
      %eq3A_82 = arith.cmpi eq, %iota3A, %eq3A_81 : vector<128x4096xi32>
      %jit3A = arith.constant 0xFF800000 : f32
      %broadcast_in_dim3A_83 = vector.broadcast %jit3A : f32 to vector<128x4096xf32>
      %select_n3A_84 = arith.select %eq3A_82, %broadcast_in_dim3A_83, %dot_general3A_62 : vector<128x4096xi1>, vector<128x4096xf32>
      %reduce_max3A_85 = arith.constant dense<0xFF800000> : vector<128xf32>
      %reduce_max3A_86 = vector.multi_reduction <maximumf>, %select_n3A_84, %reduce_max3A_85 [1] : vector<128x4096xf32> to vector<128xf32>
      %broadcast_in_dim3A_87 = vector.shape_cast %reduce_max3A_86 : vector<128xf32> to vector<128x1xf32>
      %argmax3A_88 = tpu.reduce_index %select_n3A_84 {axis = 1 : i32, kind = #tpu.reduction_kind<arg_max>} : vector<128x4096xf32> -> vector<128xi32>
      %broadcast_in_dim3A_89 = vector.shape_cast %argmax3A_88 : vector<128xi32> to vector<128x1xi32>
      %eq3A_90 = arith.constant 1 : i32
      %eq3A_91 = vector.broadcast %eq3A_90 : i32 to vector<128x6xi32>
      %eq3A_92 = arith.cmpi eq, %iota3A_63, %eq3A_91 : vector<128x6xi32>
      %broadcast_in_dim3A_93 = vector.shape_cast %broadcast_in_dim3A_87 : vector<128x1xf32> to vector<128x1xf32>
      %broadcast_in_dim3A_94 = vector.broadcast %broadcast_in_dim3A_93 : vector<128x1xf32> to vector<128x6xf32>
      %select_n3A_95 = arith.select %eq3A_92, %broadcast_in_dim3A_94, %select_n3A : vector<128x6xi1>, vector<128x6xf32>
      %eq3A_96 = arith.constant 1 : i32
      %eq3A_97 = vector.broadcast %eq3A_96 : i32 to vector<128x6xi32>
      %eq3A_98 = arith.cmpi eq, %iota3A_63, %eq3A_97 : vector<128x6xi32>
      %broadcast_in_dim3A_99 = vector.shape_cast %broadcast_in_dim3A_89 : vector<128x1xi32> to vector<128x1xi32>
      %broadcast_in_dim3A_100 = vector.broadcast %broadcast_in_dim3A_99 : vector<128x1xi32> to vector<128x6xi32>
      %select_n3A_101 = arith.select %eq3A_98, %broadcast_in_dim3A_100, %select_n3A_80 : vector<128x6xi1>, vector<128x6xi32>
      %eq3A_102 = vector.broadcast %broadcast_in_dim3A_89 : vector<128x1xi32> to vector<128x4096xi32>
      %eq3A_103 = arith.cmpi eq, %iota3A, %eq3A_102 : vector<128x4096xi32>
      %jit3A_104 = arith.constant 0xFF800000 : f32
      %broadcast_in_dim3A_105 = vector.broadcast %jit3A_104 : f32 to vector<128x4096xf32>
      %select_n3A_106 = arith.select %eq3A_103, %broadcast_in_dim3A_105, %select_n3A_84 : vector<128x4096xi1>, vector<128x4096xf32>
      %reduce_max3A_107 = arith.constant dense<0xFF800000> : vector<128xf32>
      %reduce_max3A_108 = vector.multi_reduction <maximumf>, %select_n3A_106, %reduce_max3A_107 [1] : vector<128x4096xf32> to vector<128xf32>
      %broadcast_in_dim3A_109 = vector.shape_cast %reduce_max3A_108 : vector<128xf32> to vector<128x1xf32>
      %argmax3A_110 = tpu.reduce_index %select_n3A_106 {axis = 1 : i32, kind = #tpu.reduction_kind<arg_max>} : vector<128x4096xf32> -> vector<128xi32>
      %broadcast_in_dim3A_111 = vector.shape_cast %argmax3A_110 : vector<128xi32> to vector<128x1xi32>
      %eq3A_112 = arith.constant 2 : i32
      %eq3A_113 = vector.broadcast %eq3A_112 : i32 to vector<128x6xi32>
      %eq3A_114 = arith.cmpi eq, %iota3A_63, %eq3A_113 : vector<128x6xi32>
      %broadcast_in_dim3A_115 = vector.shape_cast %broadcast_in_dim3A_109 : vector<128x1xf32> to vector<128x1xf32>
      %broadcast_in_dim3A_116 = vector.broadcast %broadcast_in_dim3A_115 : vector<128x1xf32> to vector<128x6xf32>
      %select_n3A_117 = arith.select %eq3A_114, %broadcast_in_dim3A_116, %select_n3A_95 : vector<128x6xi1>, vector<128x6xf32>
      %eq3A_118 = arith.constant 2 : i32
      %eq3A_119 = vector.broadcast %eq3A_118 : i32 to vector<128x6xi32>
      %eq3A_120 = arith.cmpi eq, %iota3A_63, %eq3A_119 : vector<128x6xi32>
      %broadcast_in_dim3A_121 = vector.shape_cast %broadcast_in_dim3A_111 : vector<128x1xi32> to vector<128x1xi32>
      %broadcast_in_dim3A_122 = vector.broadcast %broadcast_in_dim3A_121 : vector<128x1xi32> to vector<128x6xi32>
      %select_n3A_123 = arith.select %eq3A_120, %broadcast_in_dim3A_122, %select_n3A_101 : vector<128x6xi1>, vector<128x6xi32>
      %eq3A_124 = vector.broadcast %broadcast_in_dim3A_111 : vector<128x1xi32> to vector<128x4096xi32>
      %eq3A_125 = arith.cmpi eq, %iota3A, %eq3A_124 : vector<128x4096xi32>
      %jit3A_126 = arith.constant 0xFF800000 : f32
      %broadcast_in_dim3A_127 = vector.broadcast %jit3A_126 : f32 to vector<128x4096xf32>
      %select_n3A_128 = arith.select %eq3A_125, %broadcast_in_dim3A_127, %select_n3A_106 : vector<128x4096xi1>, vector<128x4096xf32>
      %reduce_max3A_129 = arith.constant dense<0xFF800000> : vector<128xf32>
      %reduce_max3A_130 = vector.multi_reduction <maximumf>, %select_n3A_128, %reduce_max3A_129 [1] : vector<128x4096xf32> to vector<128xf32>
      %broadcast_in_dim3A_131 = vector.shape_cast %reduce_max3A_130 : vector<128xf32> to vector<128x1xf32>
      %argmax3A_132 = tpu.reduce_index %select_n3A_128 {axis = 1 : i32, kind = #tpu.reduction_kind<arg_max>} : vector<128x4096xf32> -> vector<128xi32>
      %broadcast_in_dim3A_133 = vector.shape_cast %argmax3A_132 : vector<128xi32> to vector<128x1xi32>
      %eq3A_134 = arith.constant 3 : i32
      %eq3A_135 = vector.broadcast %eq3A_134 : i32 to vector<128x6xi32>
      %eq3A_136 = arith.cmpi eq, %iota3A_63, %eq3A_135 : vector<128x6xi32>
      %broadcast_in_dim3A_137 = vector.shape_cast %broadcast_in_dim3A_131 : vector<128x1xf32> to vector<128x1xf32>
      %broadcast_in_dim3A_138 = vector.broadcast %broadcast_in_dim3A_137 : vector<128x1xf32> to vector<128x6xf32>
      %select_n3A_139 = arith.select %eq3A_136, %broadcast_in_dim3A_138, %select_n3A_117 : vector<128x6xi1>, vector<128x6xf32>
      %eq3A_140 = arith.constant 3 : i32
      %eq3A_141 = vector.broadcast %eq3A_140 : i32 to vector<128x6xi32>
      %eq3A_142 = arith.cmpi eq, %iota3A_63, %eq3A_141 : vector<128x6xi32>
      %broadcast_in_dim3A_143 = vector.shape_cast %broadcast_in_dim3A_133 : vector<128x1xi32> to vector<128x1xi32>
      %broadcast_in_dim3A_144 = vector.broadcast %broadcast_in_dim3A_143 : vector<128x1xi32> to vector<128x6xi32>
      %select_n3A_145 = arith.select %eq3A_142, %broadcast_in_dim3A_144, %select_n3A_123 : vector<128x6xi1>, vector<128x6xi32>
      %eq3A_146 = vector.broadcast %broadcast_in_dim3A_133 : vector<128x1xi32> to vector<128x4096xi32>
      %eq3A_147 = arith.cmpi eq, %iota3A, %eq3A_146 : vector<128x4096xi32>
      %jit3A_148 = arith.constant 0xFF800000 : f32
      %broadcast_in_dim3A_149 = vector.broadcast %jit3A_148 : f32 to vector<128x4096xf32>
      %select_n3A_150 = arith.select %eq3A_147, %broadcast_in_dim3A_149, %select_n3A_128 : vector<128x4096xi1>, vector<128x4096xf32>
      %reduce_max3A_151 = arith.constant dense<0xFF800000> : vector<128xf32>
      %reduce_max3A_152 = vector.multi_reduction <maximumf>, %select_n3A_150, %reduce_max3A_151 [1] : vector<128x4096xf32> to vector<128xf32>
      %broadcast_in_dim3A_153 = vector.shape_cast %reduce_max3A_152 : vector<128xf32> to vector<128x1xf32>
      %argmax3A_154 = tpu.reduce_index %select_n3A_150 {axis = 1 : i32, kind = #tpu.reduction_kind<arg_max>} : vector<128x4096xf32> -> vector<128xi32>
      %broadcast_in_dim3A_155 = vector.shape_cast %argmax3A_154 : vector<128xi32> to vector<128x1xi32>
      %eq3A_156 = arith.constant 4 : i32
      %eq3A_157 = vector.broadcast %eq3A_156 : i32 to vector<128x6xi32>
      %eq3A_158 = arith.cmpi eq, %iota3A_63, %eq3A_157 : vector<128x6xi32>
      %broadcast_in_dim3A_159 = vector.shape_cast %broadcast_in_dim3A_153 : vector<128x1xf32> to vector<128x1xf32>
      %broadcast_in_dim3A_160 = vector.broadcast %broadcast_in_dim3A_159 : vector<128x1xf32> to vector<128x6xf32>
      %select_n3A_161 = arith.select %eq3A_158, %broadcast_in_dim3A_160, %select_n3A_139 : vector<128x6xi1>, vector<128x6xf32>
      %eq3A_162 = arith.constant 4 : i32
      %eq3A_163 = vector.broadcast %eq3A_162 : i32 to vector<128x6xi32>
      %eq3A_164 = arith.cmpi eq, %iota3A_63, %eq3A_163 : vector<128x6xi32>
      %broadcast_in_dim3A_165 = vector.shape_cast %broadcast_in_dim3A_155 : vector<128x1xi32> to vector<128x1xi32>
      %broadcast_in_dim3A_166 = vector.broadcast %broadcast_in_dim3A_165 : vector<128x1xi32> to vector<128x6xi32>
      %select_n3A_167 = arith.select %eq3A_164, %broadcast_in_dim3A_166, %select_n3A_145 : vector<128x6xi1>, vector<128x6xi32>
      %eq3A_168 = vector.broadcast %broadcast_in_dim3A_155 : vector<128x1xi32> to vector<128x4096xi32>
      %eq3A_169 = arith.cmpi eq, %iota3A, %eq3A_168 : vector<128x4096xi32>
      %jit3A_170 = arith.constant 0xFF800000 : f32
      %broadcast_in_dim3A_171 = vector.broadcast %jit3A_170 : f32 to vector<128x4096xf32>
      %select_n3A_172 = arith.select %eq3A_169, %broadcast_in_dim3A_171, %select_n3A_150 : vector<128x4096xi1>, vector<128x4096xf32>
      %reduce_max3A_173 = arith.constant dense<0xFF800000> : vector<128xf32>
      %reduce_max3A_174 = vector.multi_reduction <maximumf>, %select_n3A_172, %reduce_max3A_173 [1] : vector<128x4096xf32> to vector<128xf32>
      %broadcast_in_dim3A_175 = vector.shape_cast %reduce_max3A_174 : vector<128xf32> to vector<128x1xf32>
      %argmax3A_176 = tpu.reduce_index %select_n3A_172 {axis = 1 : i32, kind = #tpu.reduction_kind<arg_max>} : vector<128x4096xf32> -> vector<128xi32>
      %broadcast_in_dim3A_177 = vector.shape_cast %argmax3A_176 : vector<128xi32> to vector<128x1xi32>
      %eq3A_178 = arith.constant 5 : i32
      %eq3A_179 = vector.broadcast %eq3A_178 : i32 to vector<128x6xi32>
      %eq3A_180 = arith.cmpi eq, %iota3A_63, %eq3A_179 : vector<128x6xi32>
      %broadcast_in_dim3A_181 = vector.shape_cast %broadcast_in_dim3A_175 : vector<128x1xf32> to vector<128x1xf32>
      %broadcast_in_dim3A_182 = vector.broadcast %broadcast_in_dim3A_181 : vector<128x1xf32> to vector<128x6xf32>
      %select_n3A_183 = arith.select %eq3A_180, %broadcast_in_dim3A_182, %select_n3A_161 : vector<128x6xi1>, vector<128x6xf32>
      %eq3A_184 = arith.constant 5 : i32
      %eq3A_185 = vector.broadcast %eq3A_184 : i32 to vector<128x6xi32>
      %eq3A_186 = arith.cmpi eq, %iota3A_63, %eq3A_185 : vector<128x6xi32>
      %broadcast_in_dim3A_187 = vector.shape_cast %broadcast_in_dim3A_177 : vector<128x1xi32> to vector<128x1xi32>
      %broadcast_in_dim3A_188 = vector.broadcast %broadcast_in_dim3A_187 : vector<128x1xi32> to vector<128x6xi32>
      %select_n3A_189 = arith.select %eq3A_186, %broadcast_in_dim3A_188, %select_n3A_167 : vector<128x6xi1>, vector<128x6xi32>
      %swap3A_190 = arith.constant 0 : index
      %swap3A_191 = arith.constant 0 : index
      %swap3A_192 = vector.load %arg11[%swap3A_190, %swap3A_191] : memref<128x6xf32, #tpu.memory_space<vmem>>, vector<128x6xf32>
      tpu.vector_store %arg11[%swap3A_190, %swap3A_191], %select_n3A_183 {strides = array<i32>} : memref<128x6xf32, #tpu.memory_space<vmem>>, vector<128x6xf32>,
      %swap3A_193 = arith.constant 0 : index
      %swap3A_194 = arith.constant 0 : index
      %swap3A_195 = vector.load %arg12[%swap3A_193, %swap3A_194] : memref<128x6xi32, #tpu.memory_space<vmem>>, vector<128x6xi32>
      tpu.vector_store %arg12[%swap3A_193, %swap3A_194], %select_n3A_189 {strides = array<i32>} : memref<128x6xi32, #tpu.memory_space<vmem>>, vector<128x6xi32>,
    } else {
    }
    return
  }
  func.func @transform_0(%arg0: i32, %arg1: i32) -> (i32, i32) {
    %eq3A = arith.constant 2 : i32
    %eq3A_0 = arith.cmpi eq, %arg0, %eq3A : i32
    %jit3A = arith.constant 0 : i32
    %select_n3A = arith.select %eq3A_0, %jit3A, %arg1 : i32
    %c0_i32 = arith.constant 0 : i32
    %c0_i32_1 = arith.constant 0 : i32
    return %select_n3A, %c0_i32 : i32, i32
  }
  func.func @transform_1(%arg0: i32, %arg1: i32) -> (i32, i32) {
    %c0_i32 = arith.constant 0 : i32
    %c0_i32_0 = arith.constant 0 : i32
    %c0_i32_1 = arith.constant 0 : i32
    return %c0_i32, %c0_i32_0 : i32, i32
  }
  func.func @transform_2(%arg0: i32, %arg1: i32) -> (i32, i32) {
    %c0_i32 = arith.constant 0 : i32
    %c0_i32_0 = arith.constant 0 : i32
    %c0_i32_1 = arith.constant 0 : i32
    return %c0_i32, %c0_i32_0 : i32, i32
  }
  func.func @transform_3(%arg0: i32, %arg1: i32) -> (i32, i32) {
    %c0_i32 = arith.constant 0 : i32
    %c0_i32_0 = arith.constant 0 : i32
    %c0_i32_1 = arith.constant 0 : i32
    return %c0_i32, %c0_i32_0 : i32, i32
  }
  func.func @transform_4(%arg0: i32, %arg1: i32) -> (i32, i32) {
    %c0_i32 = arith.constant 0 : i32
    %c0_i32_0 = arith.constant 0 : i32
    %c0_i32_1 = arith.constant 0 : i32
    return %c0_i32, %c0_i32_0 : i32, i32
  }
  func.func @transform_5(%arg0: i32, %arg1: i32) -> (i32, i32) {
    %c0_i32 = arith.constant 0 : i32
    %c0_i32_0 = arith.constant 0 : i32
    %c0_i32_1 = arith.constant 0 : i32
    return %c0_i32, %c0_i32_0 : i32, i32
  }
  func.func @transform_6(%arg0: i32, %arg1: i32) -> (i32, i32) {
    %c0_i32 = arith.constant 0 : i32
    %c0_i32_0 = arith.constant 0 : i32
    %c0_i32_1 = arith.constant 0 : i32
    return %c0_i32, %c0_i32_0 : i32, i32
  }
  func.func @transform_7(%arg0: i32, %arg1: i32) -> (i32, i32) {
    %eq3A = arith.constant 1 : i32
    %eq3A_0 = arith.cmpi eq, %arg0, %eq3A : i32
    %jit3A = arith.constant 0 : i32
    %select_n3A = arith.select %eq3A_0, %arg1, %jit3A : i32
    %c0_i32 = arith.constant 0 : i32
    %c0_i32_1 = arith.constant 0 : i32
    return %select_n3A, %c0_i32 : i32, i32
  }
  func.func @transform_8(%arg0: i32, %arg1: i32) -> (i32, i32) {
    %eq3A = arith.constant 1 : i32
    %eq3A_0 = arith.cmpi eq, %arg0, %eq3A : i32
    %jit3A = arith.constant 0 : i32
    %select_n3A = arith.select %eq3A_0, %arg1, %jit3A : i32
    %c0_i32 = arith.constant 0 : i32
    %c0_i32_1 = arith.constant 0 : i32
    return %select_n3A, %c0_i32 : i32, i32
  }
  func.func @transform_9(%arg0: i32, %arg1: i32) -> (i32, i32) {
    %eq3A = arith.constant 2 : i32
    %eq3A_0 = arith.cmpi eq, %arg0, %eq3A : i32
    %jit3A = arith.constant 0 : i32
    %select_n3A = arith.select %eq3A_0, %arg1, %jit3A : i32
    %c0_i32 = arith.constant 0 : i32
    %c0_i32_1 = arith.constant 0 : i32
    return %select_n3A, %c0_i32 : i32, i32
  }
  func.func @transform_10(%arg0: i32, %arg1: i32) -> (i32, i32) {
    %eq3A = arith.constant 2 : i32
    %eq3A_0 = arith.cmpi eq, %arg0, %eq3A : i32
    %jit3A = arith.constant 0 : i32
    %select_n3A = arith.select %eq3A_0, %arg1, %jit3A : i32
    %c0_i32 = arith.constant 0 : i32
    %c0_i32_1 = arith.constant 0 : i32
    return %select_n3A, %c0_i32 : i32, i32
  }
}

module attributes {stable_mosaic.version = 14 : i64} {
  func.func @_k_ef(%arg0: i32, %arg1: i32, %arg2: memref<128x512xf32, #tpu.memory_space<vmem>>, %arg3: memref<128x6xf32, #tpu.memory_space<vmem>>, %arg4: memref<128x6x256xi32, #tpu.memory_space<vmem>>, %arg5: memref<512x512xf32, #tpu.memory_space<vmem>>, %arg6: memref<1x512xf32, #tpu.memory_space<vmem>>, %arg7: memref<512x512xf32, #tpu.memory_space<vmem>>, %arg8: memref<1x512xf32, #tpu.memory_space<vmem>>, %arg9: memref<512x256xf32, #tpu.memory_space<vmem>>, %arg10: memref<1x256xf32, #tpu.memory_space<vmem>>, %arg11: memref<1x256xf32, #tpu.memory_space<vmem>>, %arg12: memref<1x1xf32, #tpu.memory_space<vmem>>, %arg13: memref<1x512xf32, #tpu.memory_space<vmem>>, %arg14: memref<4096x512xf32, #tpu.memory_space<vmem>>, %arg15: memref<4096x1xf32, #tpu.memory_space<vmem>>) attributes {dimension_semantics = [#tpu.dimension_semantics<arbitrary>, #tpu.dimension_semantics<arbitrary>], iteration_bounds = array<i64: 2, 32>, scalar_prefetch = 0 : i64, scratch_operands = 2 : i64, tpu.core_type = #tpu.core_type<tc>, window_params = [{transform_indices = @transform_0, window_bounds = array<i64: 128, 512>}, {transform_indices = @transform_1, window_bounds = array<i64: 128, 6>}, {transform_indices = @transform_2, window_bounds = array<i64: 128, 6, 256>}, {pipeline_mode = #tpu.pipeline_mode<synchronous>, transform_indices = @transform_3, window_bounds = array<i64: 512, 512>}, {pipeline_mode = #tpu.pipeline_mode<synchronous>, transform_indices = @transform_4, window_bounds = array<i64: 1, 512>}, {pipeline_mode = #tpu.pipeline_mode<synchronous>, transform_indices = @transform_5, window_bounds = array<i64: 512, 512>}, {pipeline_mode = #tpu.pipeline_mode<synchronous>, transform_indices = @transform_6, window_bounds = array<i64: 1, 512>}, {pipeline_mode = #tpu.pipeline_mode<synchronous>, transform_indices = @transform_7, window_bounds = array<i64: 512, 256>}, {pipeline_mode = #tpu.pipeline_mode<synchronous>, transform_indices = @transform_8, window_bounds = array<i64: 1, 256>}, {pipeline_mode = #tpu.pipeline_mode<synchronous>, transform_indices = @transform_9, window_bounds = array<i64: 1, 256>}, {pipeline_mode = #tpu.pipeline_mode<synchronous>, transform_indices = @transform_10, window_bounds = array<i64: 1, 1>}, {pipeline_mode = #tpu.pipeline_mode<synchronous>, transform_indices = @transform_11, window_bounds = array<i64: 1, 512>}]} {
    %eq3A = arith.constant 0 : i32
    %eq3A_0 = arith.cmpi eq, %arg0, %eq3A : i32
    %convert_element_type3A = arith.extui %eq3A_0 : i1 to i32
    %cond3A = arith.constant 0 : i32
    %cond3A_1 = arith.cmpi ne, %convert_element_type3A, %cond3A : i32
    scf.if %cond3A_1 {
      %get3A = arith.constant 0 : index
      %get3A_7 = arith.constant 0 : index
      %get3A_8 = vector.load %arg2[%get3A, %get3A_7] : memref<128x512xf32, #tpu.memory_space<vmem>>, vector<128x512xf32>
      %get3A_9 = arith.constant 0 : index
      %get3A_10 = arith.constant 0 : index
      %get3A_11 = vector.load %arg3[%get3A_9, %get3A_10] : memref<128x6xf32, #tpu.memory_space<vmem>>, vector<128x6xf32>
      %iota3A = tpu.iota {dimensions = array<i32: 1>} : vector<128x6xi32>
      %reduce_max3A = arith.constant dense<0xFF800000> : vector<128xf32>
      %reduce_max3A_12 = vector.multi_reduction <maximumf>, %get3A_11, %reduce_max3A [1] : vector<128x6xf32> to vector<128xf32>
      %broadcast_in_dim3A = vector.shape_cast %reduce_max3A_12 : vector<128xf32> to vector<128x1xf32>
      %sub3A = vector.broadcast %broadcast_in_dim3A : vector<128x1xf32> to vector<128x6xf32>
      %sub3A_13 = arith.subf %get3A_11, %sub3A : vector<128x6xf32>
      %exp3A = math.exp %sub3A_13 : vector<128x6xf32>
      %reduce_sum3A = arith.constant dense<0.000000e+00> : vector<128xf32>
      %reduce_sum3A_14 = vector.multi_reduction <add>, %exp3A, %reduce_sum3A [1] : vector<128x6xf32> to vector<128xf32>
      %broadcast_in_dim3A_15 = vector.shape_cast %reduce_sum3A_14 : vector<128xf32> to vector<128x1xf32>
      %div3A = vector.broadcast %broadcast_in_dim3A_15 : vector<128x1xf32> to vector<128x6xf32>
      %div3A_16 = arith.divf %exp3A, %div3A : vector<128x6xf32>
      %get3A_17 = arith.constant 0 : index
      %get3A_18 = arith.constant 0 : index
      %get3A_19 = arith.constant 0 : index
      %get3A_20 = vector.load %arg4[%get3A_17, %get3A_18, %get3A_19] : memref<128x6x256xi32, #tpu.memory_space<vmem>>, vector<128x1x256xi32>
      %get3A_21 = vector.shape_cast %get3A_20 : vector<128x1x256xi32> to vector<128x256xi32>
      %shift_left3A = arith.constant 16 : i32
      %shift_left3A_22 = vector.broadcast %shift_left3A : i32 to vector<128x256xi32>
      %shift_left3A_23 = arith.shli %get3A_21, %shift_left3A_22 : vector<128x256xi32>
      %bitcast_convert_type3A = tpu.bitcast %shift_left3A_23 : vector<128x256xi32> -> vector<128x256xf32>
      %shift_right_arithmetic3A = arith.constant 16 : i32
      %shift_right_arithmetic3A_24 = vector.broadcast %shift_right_arithmetic3A : i32 to vector<128x256xi32>
      %shift_right_arithmetic3A_25 = arith.shrsi %get3A_21, %shift_right_arithmetic3A_24 : vector<128x256xi32>
      %shift_left3A_26 = arith.constant 16 : i32
      %shift_left3A_27 = vector.broadcast %shift_left3A_26 : i32 to vector<128x256xi32>
      %shift_left3A_28 = arith.shli %shift_right_arithmetic3A_25, %shift_left3A_27 : vector<128x256xi32>
      %bitcast_convert_type3A_29 = tpu.bitcast %shift_left3A_28 : vector<128x256xi32> -> vector<128x256xf32>
      %concatenate3A = tpu.concatenate %bitcast_convert_type3A, %bitcast_convert_type3A_29 in 1 : vector<128x256xf32>, vector<128x256xf32> -> vector<128x512xf32>
      %get3A_30 = arith.constant 0 : index
      %get3A_31 = arith.constant 1 : index
      %get3A_32 = arith.constant 0 : index
      %get3A_33 = vector.load %arg4[%get3A_30, %get3A_31, %get3A_32] : memref<128x6x256xi32, #tpu.memory_space<vmem>>, vector<128x1x256xi32>
      %get3A_34 = vector.shape_cast %get3A_33 : vector<128x1x256xi32> to vector<128x256xi32>
      %shift_left3A_35 = arith.constant 16 : i32
      %shift_left3A_36 = vector.broadcast %shift_left3A_35 : i32 to vector<128x256xi32>
      %shift_left3A_37 = arith.shli %get3A_34, %shift_left3A_36 : vector<128x256xi32>
      %bitcast_convert_type3A_38 = tpu.bitcast %shift_left3A_37 : vector<128x256xi32> -> vector<128x256xf32>
      %shift_right_arithmetic3A_39 = arith.constant 16 : i32
      %shift_right_arithmetic3A_40 = vector.broadcast %shift_right_arithmetic3A_39 : i32 to vector<128x256xi32>
      %shift_right_arithmetic3A_41 = arith.shrsi %get3A_34, %shift_right_arithmetic3A_40 : vector<128x256xi32>
      %shift_left3A_42 = arith.constant 16 : i32
      %shift_left3A_43 = vector.broadcast %shift_left3A_42 : i32 to vector<128x256xi32>
      %shift_left3A_44 = arith.shli %shift_right_arithmetic3A_41, %shift_left3A_43 : vector<128x256xi32>
      %bitcast_convert_type3A_45 = tpu.bitcast %shift_left3A_44 : vector<128x256xi32> -> vector<128x256xf32>
      %concatenate3A_46 = tpu.concatenate %bitcast_convert_type3A_38, %bitcast_convert_type3A_45 in 1 : vector<128x256xf32>, vector<128x256xf32> -> vector<128x512xf32>
      %get3A_47 = arith.constant 0 : index
      %get3A_48 = arith.constant 2 : index
      %get3A_49 = arith.constant 0 : index
      %get3A_50 = vector.load %arg4[%get3A_47, %get3A_48, %get3A_49] : memref<128x6x256xi32, #tpu.memory_space<vmem>>, vector<128x1x256xi32>
      %get3A_51 = vector.shape_cast %get3A_50 : vector<128x1x256xi32> to vector<128x256xi32>
      %shift_left3A_52 = arith.constant 16 : i32
      %shift_left3A_53 = vector.broadcast %shift_left3A_52 : i32 to vector<128x256xi32>
      %shift_left3A_54 = arith.shli %get3A_51, %shift_left3A_53 : vector<128x256xi32>
      %bitcast_convert_type3A_55 = tpu.bitcast %shift_left3A_54 : vector<128x256xi32> -> vector<128x256xf32>
      %shift_right_arithmetic3A_56 = arith.constant 16 : i32
      %shift_right_arithmetic3A_57 = vector.broadcast %shift_right_arithmetic3A_56 : i32 to vector<128x256xi32>
      %shift_right_arithmetic3A_58 = arith.shrsi %get3A_51, %shift_right_arithmetic3A_57 : vector<128x256xi32>
      %shift_left3A_59 = arith.constant 16 : i32
      %shift_left3A_60 = vector.broadcast %shift_left3A_59 : i32 to vector<128x256xi32>
      %shift_left3A_61 = arith.shli %shift_right_arithmetic3A_58, %shift_left3A_60 : vector<128x256xi32>
      %bitcast_convert_type3A_62 = tpu.bitcast %shift_left3A_61 : vector<128x256xi32> -> vector<128x256xf32>
      %concatenate3A_63 = tpu.concatenate %bitcast_convert_type3A_55, %bitcast_convert_type3A_62 in 1 : vector<128x256xf32>, vector<128x256xf32> -> vector<128x512xf32>
      %get3A_64 = arith.constant 0 : index
      %get3A_65 = arith.constant 3 : index
      %get3A_66 = arith.constant 0 : index
      %get3A_67 = vector.load %arg4[%get3A_64, %get3A_65, %get3A_66] : memref<128x6x256xi32, #tpu.memory_space<vmem>>, vector<128x1x256xi32>
      %get3A_68 = vector.shape_cast %get3A_67 : vector<128x1x256xi32> to vector<128x256xi32>
      %shift_left3A_69 = arith.constant 16 : i32
      %shift_left3A_70 = vector.broadcast %shift_left3A_69 : i32 to vector<128x256xi32>
      %shift_left3A_71 = arith.shli %get3A_68, %shift_left3A_70 : vector<128x256xi32>
      %bitcast_convert_type3A_72 = tpu.bitcast %shift_left3A_71 : vector<128x256xi32> -> vector<128x256xf32>
      %shift_right_arithmetic3A_73 = arith.constant 16 : i32
      %shift_right_arithmetic3A_74 = vector.broadcast %shift_right_arithmetic3A_73 : i32 to vector<128x256xi32>
      %shift_right_arithmetic3A_75 = arith.shrsi %get3A_68, %shift_right_arithmetic3A_74 : vector<128x256xi32>
      %shift_left3A_76 = arith.constant 16 : i32
      %shift_left3A_77 = vector.broadcast %shift_left3A_76 : i32 to vector<128x256xi32>
      %shift_left3A_78 = arith.shli %shift_right_arithmetic3A_75, %shift_left3A_77 : vector<128x256xi32>
      %bitcast_convert_type3A_79 = tpu.bitcast %shift_left3A_78 : vector<128x256xi32> -> vector<128x256xf32>
      %concatenate3A_80 = tpu.concatenate %bitcast_convert_type3A_72, %bitcast_convert_type3A_79 in 1 : vector<128x256xf32>, vector<128x256xf32> -> vector<128x512xf32>
      %get3A_81 = arith.constant 0 : index
      %get3A_82 = arith.constant 4 : index
      %get3A_83 = arith.constant 0 : index
      %get3A_84 = vector.load %arg4[%get3A_81, %get3A_82, %get3A_83] : memref<128x6x256xi32, #tpu.memory_space<vmem>>, vector<128x1x256xi32>
      %get3A_85 = vector.shape_cast %get3A_84 : vector<128x1x256xi32> to vector<128x256xi32>
      %shift_left3A_86 = arith.constant 16 : i32
      %shift_left3A_87 = vector.broadcast %shift_left3A_86 : i32 to vector<128x256xi32>
      %shift_left3A_88 = arith.shli %get3A_85, %shift_left3A_87 : vector<128x256xi32>
      %bitcast_convert_type3A_89 = tpu.bitcast %shift_left3A_88 : vector<128x256xi32> -> vector<128x256xf32>
      %shift_right_arithmetic3A_90 = arith.constant 16 : i32
      %shift_right_arithmetic3A_91 = vector.broadcast %shift_right_arithmetic3A_90 : i32 to vector<128x256xi32>
      %shift_right_arithmetic3A_92 = arith.shrsi %get3A_85, %shift_right_arithmetic3A_91 : vector<128x256xi32>
      %shift_left3A_93 = arith.constant 16 : i32
      %shift_left3A_94 = vector.broadcast %shift_left3A_93 : i32 to vector<128x256xi32>
      %shift_left3A_95 = arith.shli %shift_right_arithmetic3A_92, %shift_left3A_94 : vector<128x256xi32>
      %bitcast_convert_type3A_96 = tpu.bitcast %shift_left3A_95 : vector<128x256xi32> -> vector<128x256xf32>
      %concatenate3A_97 = tpu.concatenate %bitcast_convert_type3A_89, %bitcast_convert_type3A_96 in 1 : vector<128x256xf32>, vector<128x256xf32> -> vector<128x512xf32>
      %get3A_98 = arith.constant 0 : index
      %get3A_99 = arith.constant 5 : index
      %get3A_100 = arith.constant 0 : index
      %get3A_101 = vector.load %arg4[%get3A_98, %get3A_99, %get3A_100] : memref<128x6x256xi32, #tpu.memory_space<vmem>>, vector<128x1x256xi32>
      %get3A_102 = vector.shape_cast %get3A_101 : vector<128x1x256xi32> to vector<128x256xi32>
      %shift_left3A_103 = arith.constant 16 : i32
      %shift_left3A_104 = vector.broadcast %shift_left3A_103 : i32 to vector<128x256xi32>
      %shift_left3A_105 = arith.shli %get3A_102, %shift_left3A_104 : vector<128x256xi32>
      %bitcast_convert_type3A_106 = tpu.bitcast %shift_left3A_105 : vector<128x256xi32> -> vector<128x256xf32>
      %shift_right_arithmetic3A_107 = arith.constant 16 : i32
      %shift_right_arithmetic3A_108 = vector.broadcast %shift_right_arithmetic3A_107 : i32 to vector<128x256xi32>
      %shift_right_arithmetic3A_109 = arith.shrsi %get3A_102, %shift_right_arithmetic3A_108 : vector<128x256xi32>
      %shift_left3A_110 = arith.constant 16 : i32
      %shift_left3A_111 = vector.broadcast %shift_left3A_110 : i32 to vector<128x256xi32>
      %shift_left3A_112 = arith.shli %shift_right_arithmetic3A_109, %shift_left3A_111 : vector<128x256xi32>
      %bitcast_convert_type3A_113 = tpu.bitcast %shift_left3A_112 : vector<128x256xi32> -> vector<128x256xf32>
      %concatenate3A_114 = tpu.concatenate %bitcast_convert_type3A_106, %bitcast_convert_type3A_113 in 1 : vector<128x256xf32>, vector<128x256xf32> -> vector<128x512xf32>
      %broadcast_in_dim3A_115 = arith.constant 0xFF800000 : f32
      %broadcast_in_dim3A_116 = vector.broadcast %broadcast_in_dim3A_115 : f32 to vector<128x6xf32>
      %slice3A = vector.extract_strided_slice %div3A_16 {offsets = [0, 0], sizes = [128, 1], strides = [1, 1]} : vector<128x6xf32> to vector<128x1xf32>
      %mul3A = vector.broadcast %slice3A : vector<128x1xf32> to vector<128x512xf32>
      %mul3A_117 = arith.mulf %mul3A, %concatenate3A : vector<128x512xf32>
      %sub3A_118 = arith.constant 1.000000e+00 : f32
      %sub3A_119 = vector.broadcast %sub3A_118 : f32 to vector<128x1xf32>
      %sub3A_120 = arith.subf %sub3A_119, %slice3A : vector<128x1xf32>
      %mul3A_121 = vector.broadcast %sub3A_120 : vector<128x1xf32> to vector<128x512xf32>
      %mul3A_122 = arith.mulf %mul3A_121, %get3A_8 : vector<128x512xf32>
      %add3A = arith.addf %mul3A_117, %mul3A_122 : vector<128x512xf32>
      %add3A_123 = arith.addf %get3A_8, %add3A : vector<128x512xf32>
      %tanh3A = math.tanh %add3A_123 : vector<128x512xf32>
      %reduce_sum3A_124 = arith.constant dense<0.000000e+00> : vector<128xf32>
      %reduce_sum3A_125 = vector.multi_reduction <add>, %concatenate3A, %reduce_sum3A_124 [1] : vector<128x512xf32> to vector<128xf32>
      %broadcast_in_dim3A_126 = vector.shape_cast %reduce_sum3A_125 : vector<128xf32> to vector<128x1xf32>
      %reduce_sum3A_127 = arith.constant dense<0.000000e+00> : vector<128xf32>
      %reduce_sum3A_128 = vector.multi_reduction <add>, %tanh3A, %reduce_sum3A_127 [1] : vector<128x512xf32> to vector<128xf32>
      %broadcast_in_dim3A_129 = vector.shape_cast %reduce_sum3A_128 : vector<128xf32> to vector<128x1xf32>
      %mul3A_130 = arith.mulf %broadcast_in_dim3A_126, %broadcast_in_dim3A_129 : vector<128x1xf32>
      %eq3A_131 = arith.constant 0 : i32
      %eq3A_132 = vector.broadcast %eq3A_131 : i32 to vector<128x6xi32>
      %eq3A_133 = arith.cmpi eq, %iota3A, %eq3A_132 : vector<128x6xi32>
      %broadcast_in_dim3A_134 = vector.shape_cast %mul3A_130 : vector<128x1xf32> to vector<128x1xf32>
      %broadcast_in_dim3A_135 = vector.broadcast %broadcast_in_dim3A_134 : vector<128x1xf32> to vector<128x6xf32>
      %select_n3A = arith.select %eq3A_133, %broadcast_in_dim3A_135, %broadcast_in_dim3A_116 : vector<128x6xi1>, vector<128x6xf32>
      %slice3A_136 = vector.extract_strided_slice %div3A_16 {offsets = [0, 1], sizes = [128, 1], strides = [1, 1]} : vector<128x6xf32> to vector<128x1xf32>
      %mul3A_137 = vector.broadcast %slice3A_136 : vector<128x1xf32> to vector<128x512xf32>
      %mul3A_138 = arith.mulf %mul3A_137, %concatenate3A_46 : vector<128x512xf32>
      %sub3A_139 = arith.constant 1.000000e+00 : f32
      %sub3A_140 = vector.broadcast %sub3A_139 : f32 to vector<128x1xf32>
      %sub3A_141 = arith.subf %sub3A_140, %slice3A_136 : vector<128x1xf32>
      %mul3A_142 = vector.broadcast %sub3A_141 : vector<128x1xf32> to vector<128x512xf32>
      %mul3A_143 = arith.mulf %mul3A_142, %get3A_8 : vector<128x512xf32>
      %add3A_144 = arith.addf %mul3A_138, %mul3A_143 : vector<128x512xf32>
      %add3A_145 = arith.addf %get3A_8, %add3A_144 : vector<128x512xf32>
      %tanh3A_146 = math.tanh %add3A_145 : vector<128x512xf32>
      %reduce_sum3A_147 = arith.constant dense<0.000000e+00> : vector<128xf32>
      %reduce_sum3A_148 = vector.multi_reduction <add>, %concatenate3A_46, %reduce_sum3A_147 [1] : vector<128x512xf32> to vector<128xf32>
      %broadcast_in_dim3A_149 = vector.shape_cast %reduce_sum3A_148 : vector<128xf32> to vector<128x1xf32>
      %reduce_sum3A_150 = arith.constant dense<0.000000e+00> : vector<128xf32>
      %reduce_sum3A_151 = vector.multi_reduction <add>, %tanh3A_146, %reduce_sum3A_150 [1] : vector<128x512xf32> to vector<128xf32>
      %broadcast_in_dim3A_152 = vector.shape_cast %reduce_sum3A_151 : vector<128xf32> to vector<128x1xf32>
      %mul3A_153 = arith.mulf %broadcast_in_dim3A_149, %broadcast_in_dim3A_152 : vector<128x1xf32>
      %eq3A_154 = arith.constant 1 : i32
      %eq3A_155 = vector.broadcast %eq3A_154 : i32 to vector<128x6xi32>
      %eq3A_156 = arith.cmpi eq, %iota3A, %eq3A_155 : vector<128x6xi32>
      %broadcast_in_dim3A_157 = vector.shape_cast %mul3A_153 : vector<128x1xf32> to vector<128x1xf32>
      %broadcast_in_dim3A_158 = vector.broadcast %broadcast_in_dim3A_157 : vector<128x1xf32> to vector<128x6xf32>
      %select_n3A_159 = arith.select %eq3A_156, %broadcast_in_dim3A_158, %select_n3A : vector<128x6xi1>, vector<128x6xf32>
      %slice3A_160 = vector.extract_strided_slice %div3A_16 {offsets = [0, 2], sizes = [128, 1], strides = [1, 1]} : vector<128x6xf32> to vector<128x1xf32>
      %mul3A_161 = vector.broadcast %slice3A_160 : vector<128x1xf32> to vector<128x512xf32>
      %mul3A_162 = arith.mulf %mul3A_161, %concatenate3A_63 : vector<128x512xf32>
      %sub3A_163 = arith.constant 1.000000e+00 : f32
      %sub3A_164 = vector.broadcast %sub3A_163 : f32 to vector<128x1xf32>
      %sub3A_165 = arith.subf %sub3A_164, %slice3A_160 : vector<128x1xf32>
      %mul3A_166 = vector.broadcast %sub3A_165 : vector<128x1xf32> to vector<128x512xf32>
      %mul3A_167 = arith.mulf %mul3A_166, %get3A_8 : vector<128x512xf32>
      %add3A_168 = arith.addf %mul3A_162, %mul3A_167 : vector<128x512xf32>
      %add3A_169 = arith.addf %get3A_8, %add3A_168 : vector<128x512xf32>
      %tanh3A_170 = math.tanh %add3A_169 : vector<128x512xf32>
      %reduce_sum3A_171 = arith.constant dense<0.000000e+00> : vector<128xf32>
      %reduce_sum3A_172 = vector.multi_reduction <add>, %concatenate3A_63, %reduce_sum3A_171 [1] : vector<128x512xf32> to vector<128xf32>
      %broadcast_in_dim3A_173 = vector.shape_cast %reduce_sum3A_172 : vector<128xf32> to vector<128x1xf32>
      %reduce_sum3A_174 = arith.constant dense<0.000000e+00> : vector<128xf32>
      %reduce_sum3A_175 = vector.multi_reduction <add>, %tanh3A_170, %reduce_sum3A_174 [1] : vector<128x512xf32> to vector<128xf32>
      %broadcast_in_dim3A_176 = vector.shape_cast %reduce_sum3A_175 : vector<128xf32> to vector<128x1xf32>
      %mul3A_177 = arith.mulf %broadcast_in_dim3A_173, %broadcast_in_dim3A_176 : vector<128x1xf32>
      %eq3A_178 = arith.constant 2 : i32
      %eq3A_179 = vector.broadcast %eq3A_178 : i32 to vector<128x6xi32>
      %eq3A_180 = arith.cmpi eq, %iota3A, %eq3A_179 : vector<128x6xi32>
      %broadcast_in_dim3A_181 = vector.shape_cast %mul3A_177 : vector<128x1xf32> to vector<128x1xf32>
      %broadcast_in_dim3A_182 = vector.broadcast %broadcast_in_dim3A_181 : vector<128x1xf32> to vector<128x6xf32>
      %select_n3A_183 = arith.select %eq3A_180, %broadcast_in_dim3A_182, %select_n3A_159 : vector<128x6xi1>, vector<128x6xf32>
      %slice3A_184 = vector.extract_strided_slice %div3A_16 {offsets = [0, 3], sizes = [128, 1], strides = [1, 1]} : vector<128x6xf32> to vector<128x1xf32>
      %mul3A_185 = vector.broadcast %slice3A_184 : vector<128x1xf32> to vector<128x512xf32>
      %mul3A_186 = arith.mulf %mul3A_185, %concatenate3A_80 : vector<128x512xf32>
      %sub3A_187 = arith.constant 1.000000e+00 : f32
      %sub3A_188 = vector.broadcast %sub3A_187 : f32 to vector<128x1xf32>
      %sub3A_189 = arith.subf %sub3A_188, %slice3A_184 : vector<128x1xf32>
      %mul3A_190 = vector.broadcast %sub3A_189 : vector<128x1xf32> to vector<128x512xf32>
      %mul3A_191 = arith.mulf %mul3A_190, %get3A_8 : vector<128x512xf32>
      %add3A_192 = arith.addf %mul3A_186, %mul3A_191 : vector<128x512xf32>
      %add3A_193 = arith.addf %get3A_8, %add3A_192 : vector<128x512xf32>
      %tanh3A_194 = math.tanh %add3A_193 : vector<128x512xf32>
      %reduce_sum3A_195 = arith.constant dense<0.000000e+00> : vector<128xf32>
      %reduce_sum3A_196 = vector.multi_reduction <add>, %concatenate3A_80, %reduce_sum3A_195 [1] : vector<128x512xf32> to vector<128xf32>
      %broadcast_in_dim3A_197 = vector.shape_cast %reduce_sum3A_196 : vector<128xf32> to vector<128x1xf32>
      %reduce_sum3A_198 = arith.constant dense<0.000000e+00> : vector<128xf32>
      %reduce_sum3A_199 = vector.multi_reduction <add>, %tanh3A_194, %reduce_sum3A_198 [1] : vector<128x512xf32> to vector<128xf32>
      %broadcast_in_dim3A_200 = vector.shape_cast %reduce_sum3A_199 : vector<128xf32> to vector<128x1xf32>
      %mul3A_201 = arith.mulf %broadcast_in_dim3A_197, %broadcast_in_dim3A_200 : vector<128x1xf32>
      %eq3A_202 = arith.constant 3 : i32
      %eq3A_203 = vector.broadcast %eq3A_202 : i32 to vector<128x6xi32>
      %eq3A_204 = arith.cmpi eq, %iota3A, %eq3A_203 : vector<128x6xi32>
      %broadcast_in_dim3A_205 = vector.shape_cast %mul3A_201 : vector<128x1xf32> to vector<128x1xf32>
      %broadcast_in_dim3A_206 = vector.broadcast %broadcast_in_dim3A_205 : vector<128x1xf32> to vector<128x6xf32>
      %select_n3A_207 = arith.select %eq3A_204, %broadcast_in_dim3A_206, %select_n3A_183 : vector<128x6xi1>, vector<128x6xf32>
      %slice3A_208 = vector.extract_strided_slice %div3A_16 {offsets = [0, 4], sizes = [128, 1], strides = [1, 1]} : vector<128x6xf32> to vector<128x1xf32>
      %mul3A_209 = vector.broadcast %slice3A_208 : vector<128x1xf32> to vector<128x512xf32>
      %mul3A_210 = arith.mulf %mul3A_209, %concatenate3A_97 : vector<128x512xf32>
      %sub3A_211 = arith.constant 1.000000e+00 : f32
      %sub3A_212 = vector.broadcast %sub3A_211 : f32 to vector<128x1xf32>
      %sub3A_213 = arith.subf %sub3A_212, %slice3A_208 : vector<128x1xf32>
      %mul3A_214 = vector.broadcast %sub3A_213 : vector<128x1xf32> to vector<128x512xf32>
      %mul3A_215 = arith.mulf %mul3A_214, %get3A_8 : vector<128x512xf32>
      %add3A_216 = arith.addf %mul3A_210, %mul3A_215 : vector<128x512xf32>
      %add3A_217 = arith.addf %get3A_8, %add3A_216 : vector<128x512xf32>
      %tanh3A_218 = math.tanh %add3A_217 : vector<128x512xf32>
      %reduce_sum3A_219 = arith.constant dense<0.000000e+00> : vector<128xf32>
      %reduce_sum3A_220 = vector.multi_reduction <add>, %concatenate3A_97, %reduce_sum3A_219 [1] : vector<128x512xf32> to vector<128xf32>
      %broadcast_in_dim3A_221 = vector.shape_cast %reduce_sum3A_220 : vector<128xf32> to vector<128x1xf32>
      %reduce_sum3A_222 = arith.constant dense<0.000000e+00> : vector<128xf32>
      %reduce_sum3A_223 = vector.multi_reduction <add>, %tanh3A_218, %reduce_sum3A_222 [1] : vector<128x512xf32> to vector<128xf32>
      %broadcast_in_dim3A_224 = vector.shape_cast %reduce_sum3A_223 : vector<128xf32> to vector<128x1xf32>
      %mul3A_225 = arith.mulf %broadcast_in_dim3A_221, %broadcast_in_dim3A_224 : vector<128x1xf32>
      %eq3A_226 = arith.constant 4 : i32
      %eq3A_227 = vector.broadcast %eq3A_226 : i32 to vector<128x6xi32>
      %eq3A_228 = arith.cmpi eq, %iota3A, %eq3A_227 : vector<128x6xi32>
      %broadcast_in_dim3A_229 = vector.shape_cast %mul3A_225 : vector<128x1xf32> to vector<128x1xf32>
      %broadcast_in_dim3A_230 = vector.broadcast %broadcast_in_dim3A_229 : vector<128x1xf32> to vector<128x6xf32>
      %select_n3A_231 = arith.select %eq3A_228, %broadcast_in_dim3A_230, %select_n3A_207 : vector<128x6xi1>, vector<128x6xf32>
      %slice3A_232 = vector.extract_strided_slice %div3A_16 {offsets = [0, 5], sizes = [128, 1], strides = [1, 1]} : vector<128x6xf32> to vector<128x1xf32>
      %mul3A_233 = vector.broadcast %slice3A_232 : vector<128x1xf32> to vector<128x512xf32>
      %mul3A_234 = arith.mulf %mul3A_233, %concatenate3A_114 : vector<128x512xf32>
      %sub3A_235 = arith.constant 1.000000e+00 : f32
      %sub3A_236 = vector.broadcast %sub3A_235 : f32 to vector<128x1xf32>
      %sub3A_237 = arith.subf %sub3A_236, %slice3A_232 : vector<128x1xf32>
      %mul3A_238 = vector.broadcast %sub3A_237 : vector<128x1xf32> to vector<128x512xf32>
      %mul3A_239 = arith.mulf %mul3A_238, %get3A_8 : vector<128x512xf32>
      %add3A_240 = arith.addf %mul3A_234, %mul3A_239 : vector<128x512xf32>
      %add3A_241 = arith.addf %get3A_8, %add3A_240 : vector<128x512xf32>
      %tanh3A_242 = math.tanh %add3A_241 : vector<128x512xf32>
      %reduce_sum3A_243 = arith.constant dense<0.000000e+00> : vector<128xf32>
      %reduce_sum3A_244 = vector.multi_reduction <add>, %concatenate3A_114, %reduce_sum3A_243 [1] : vector<128x512xf32> to vector<128xf32>
      %broadcast_in_dim3A_245 = vector.shape_cast %reduce_sum3A_244 : vector<128xf32> to vector<128x1xf32>
      %reduce_sum3A_246 = arith.constant dense<0.000000e+00> : vector<128xf32>
      %reduce_sum3A_247 = vector.multi_reduction <add>, %tanh3A_242, %reduce_sum3A_246 [1] : vector<128x512xf32> to vector<128xf32>
      %broadcast_in_dim3A_248 = vector.shape_cast %reduce_sum3A_247 : vector<128xf32> to vector<128x1xf32>
      %mul3A_249 = arith.mulf %broadcast_in_dim3A_245, %broadcast_in_dim3A_248 : vector<128x1xf32>
      %eq3A_250 = arith.constant 5 : i32
      %eq3A_251 = vector.broadcast %eq3A_250 : i32 to vector<128x6xi32>
      %eq3A_252 = arith.cmpi eq, %iota3A, %eq3A_251 : vector<128x6xi32>
      %broadcast_in_dim3A_253 = vector.shape_cast %mul3A_249 : vector<128x1xf32> to vector<128x1xf32>
      %broadcast_in_dim3A_254 = vector.broadcast %broadcast_in_dim3A_253 : vector<128x1xf32> to vector<128x6xf32>
      %select_n3A_255 = arith.select %eq3A_252, %broadcast_in_dim3A_254, %select_n3A_231 : vector<128x6xi1>, vector<128x6xf32>
      %reduce_max3A_256 = arith.constant dense<0xFF800000> : vector<128xf32>
      %reduce_max3A_257 = vector.multi_reduction <maximumf>, %select_n3A_255, %reduce_max3A_256 [1] : vector<128x6xf32> to vector<128xf32>
      %broadcast_in_dim3A_258 = vector.shape_cast %reduce_max3A_257 : vector<128xf32> to vector<128x1xf32>
      %sub3A_259 = vector.broadcast %broadcast_in_dim3A_258 : vector<128x1xf32> to vector<128x6xf32>
      %sub3A_260 = arith.subf %select_n3A_255, %sub3A_259 : vector<128x6xf32>
      %exp3A_261 = math.exp %sub3A_260 : vector<128x6xf32>
      %reduce_sum3A_262 = arith.constant dense<0.000000e+00> : vector<128xf32>
      %reduce_sum3A_263 = vector.multi_reduction <add>, %exp3A_261, %reduce_sum3A_262 [1] : vector<128x6xf32> to vector<128xf32>
      %broadcast_in_dim3A_264 = vector.shape_cast %reduce_sum3A_263 : vector<128xf32> to vector<128x1xf32>
      %div3A_265 = vector.broadcast %broadcast_in_dim3A_264 : vector<128x1xf32> to vector<128x6xf32>
      %div3A_266 = arith.divf %exp3A_261, %div3A_265 : vector<128x6xf32>
      %broadcast_in_dim3A_267 = arith.constant 0.000000e+00 : f32
      %broadcast_in_dim3A_268 = vector.broadcast %broadcast_in_dim3A_267 : f32 to vector<128x512xf32>
      %slice3A_269 = vector.extract_strided_slice %div3A_266 {offsets = [0, 0], sizes = [128, 1], strides = [1, 1]} : vector<128x6xf32> to vector<128x1xf32>
      %mul3A_270 = vector.broadcast %slice3A_269 : vector<128x1xf32> to vector<128x512xf32>
      %mul3A_271 = arith.mulf %mul3A_270, %concatenate3A : vector<128x512xf32>
      %add3A_272 = arith.addf %broadcast_in_dim3A_268, %mul3A_271 : vector<128x512xf32>
      %slice3A_273 = vector.extract_strided_slice %div3A_266 {offsets = [0, 1], sizes = [128, 1], strides = [1, 1]} : vector<128x6xf32> to vector<128x1xf32>
      %mul3A_274 = vector.broadcast %slice3A_273 : vector<128x1xf32> to vector<128x512xf32>
      %mul3A_275 = arith.mulf %mul3A_274, %concatenate3A_46 : vector<128x512xf32>
      %add3A_276 = arith.addf %add3A_272, %mul3A_275 : vector<128x512xf32>
      %slice3A_277 = vector.extract_strided_slice %div3A_266 {offsets = [0, 2], sizes = [128, 1], strides = [1, 1]} : vector<128x6xf32> to vector<128x1xf32>
      %mul3A_278 = vector.broadcast %slice3A_277 : vector<128x1xf32> to vector<128x512xf32>
      %mul3A_279 = arith.mulf %mul3A_278, %concatenate3A_63 : vector<128x512xf32>
      %add3A_280 = arith.addf %add3A_276, %mul3A_279 : vector<128x512xf32>
      %slice3A_281 = vector.extract_strided_slice %div3A_266 {offsets = [0, 3], sizes = [128, 1], strides = [1, 1]} : vector<128x6xf32> to vector<128x1xf32>
      %mul3A_282 = vector.broadcast %slice3A_281 : vector<128x1xf32> to vector<128x512xf32>
      %mul3A_283 = arith.mulf %mul3A_282, %concatenate3A_80 : vector<128x512xf32>
      %add3A_284 = arith.addf %add3A_280, %mul3A_283 : vector<128x512xf32>
      %slice3A_285 = vector.extract_strided_slice %div3A_266 {offsets = [0, 4], sizes = [128, 1], strides = [1, 1]} : vector<128x6xf32> to vector<128x1xf32>
      %mul3A_286 = vector.broadcast %slice3A_285 : vector<128x1xf32> to vector<128x512xf32>
      %mul3A_287 = arith.mulf %mul3A_286, %concatenate3A_97 : vector<128x512xf32>
      %add3A_288 = arith.addf %add3A_284, %mul3A_287 : vector<128x512xf32>
      %slice3A_289 = vector.extract_strided_slice %div3A_266 {offsets = [0, 5], sizes = [128, 1], strides = [1, 1]} : vector<128x6xf32> to vector<128x1xf32>
      %mul3A_290 = vector.broadcast %slice3A_289 : vector<128x1xf32> to vector<128x512xf32>
      %mul3A_291 = arith.mulf %mul3A_290, %concatenate3A_114 : vector<128x512xf32>
      %add3A_292 = arith.addf %add3A_288, %mul3A_291 : vector<128x512xf32>
      %add3A_293 = arith.addf %get3A_8, %add3A_292 : vector<128x512xf32>
      %get3A_294 = arith.constant 0 : index
      %get3A_295 = arith.constant 0 : index
      %get3A_296 = vector.load %arg5[%get3A_294, %get3A_295] : memref<512x512xf32, #tpu.memory_space<vmem>>, vector<512x512xf32>
      %dot_general3A = arith.constant dense<0.000000e+00> : vector<128x512xf32>
      %dot_general3A_297 = tpu.matmul %add3A_293, %get3A_296, %dot_general3A {dimension_numbers = #tpu.dot_dimension_numbers<[1], [0], [0], [1], [0, 0, 1, 1], [], []>, transpose_lhs_hint = false} : vector<128x512xf32>, vector<512x512xf32>, vector<128x512xf32> -> vector<128x512xf32>
      %get3A_298 = arith.constant 0 : index
      %get3A_299 = arith.constant 0 : index
      %get3A_300 = vector.load %arg6[%get3A_298, %get3A_299] : memref<1x512xf32, #tpu.memory_space<vmem>>, vector<1x512xf32>
      %add3A_301 = vector.broadcast %get3A_300 : vector<1x512xf32> to vector<128x512xf32>
      %add3A_302 = arith.addf %dot_general3A_297, %add3A_301 : vector<128x512xf32>
      %jit3A = arith.constant 0.00999999977 : f32
      %ge3A = arith.constant 0.000000e+00 : f32
      %ge3A_303 = vector.broadcast %ge3A : f32 to vector<128x512xf32>
      %ge3A_304 = arith.cmpf oge, %add3A_302, %ge3A_303 : vector<128x512xf32>
      %mul3A_305 = vector.broadcast %jit3A : f32 to vector<128x512xf32>
      %mul3A_306 = arith.mulf %mul3A_305, %add3A_302 : vector<128x512xf32>
      %select_n3A_307 = arith.select %ge3A_304, %add3A_302, %mul3A_306 : vector<128x512xi1>, vector<128x512xf32>
      %mul3A_308 = arith.mulf %get3A_8, %add3A_292 : vector<128x512xf32>
      %get3A_309 = arith.constant 0 : index
      %get3A_310 = arith.constant 0 : index
      %get3A_311 = vector.load %arg7[%get3A_309, %get3A_310] : memref<512x512xf32, #tpu.memory_space<vmem>>, vector<512x512xf32>
      %dot_general3A_312 = arith.constant dense<0.000000e+00> : vector<128x512xf32>
      %dot_general3A_313 = tpu.matmul %mul3A_308, %get3A_311, %dot_general3A_312 {dimension_numbers = #tpu.dot_dimension_numbers<[1], [0], [0], [1], [0, 0, 1, 1], [], []>, transpose_lhs_hint = false} : vector<128x512xf32>, vector<512x512xf32>, vector<128x512xf32> -> vector<128x512xf32>
      %get3A_314 = arith.constant 0 : index
      %get3A_315 = arith.constant 0 : index
      %get3A_316 = vector.load %arg8[%get3A_314, %get3A_315] : memref<1x512xf32, #tpu.memory_space<vmem>>, vector<1x512xf32>
      %add3A_317 = vector.broadcast %get3A_316 : vector<1x512xf32> to vector<128x512xf32>
      %add3A_318 = arith.addf %dot_general3A_313, %add3A_317 : vector<128x512xf32>
      %jit3A_319 = arith.constant 0.00999999977 : f32
      %ge3A_320 = arith.constant 0.000000e+00 : f32
      %ge3A_321 = vector.broadcast %ge3A_320 : f32 to vector<128x512xf32>
      %ge3A_322 = arith.cmpf oge, %add3A_318, %ge3A_321 : vector<128x512xf32>
      %mul3A_323 = vector.broadcast %jit3A_319 : f32 to vector<128x512xf32>
      %mul3A_324 = arith.mulf %mul3A_323, %add3A_318 : vector<128x512xf32>
      %select_n3A_325 = arith.select %ge3A_322, %add3A_318, %mul3A_324 : vector<128x512xi1>, vector<128x512xf32>
      %add3A_326 = arith.addf %select_n3A_307, %select_n3A_325 : vector<128x512xf32>
      %mul3A_327 = arith.constant 128 : i32
      %mul3A_328 = arith.muli %arg1, %mul3A_327 : i32
      %swap3A = arith.index_cast %mul3A_328 : i32 to index
      %swap3A_329 = arith.constant 0 : index
      %swap3A_330 = vector.load %arg14[%swap3A, %swap3A_329] : memref<4096x512xf32, #tpu.memory_space<vmem>>, vector<128x512xf32>
      tpu.vector_store %arg14[%swap3A, %swap3A_329], %add3A_326 {strides = array<i32>} : memref<4096x512xf32, #tpu.memory_space<vmem>>, vector<128x512xf32>,
      %get3A_331 = arith.constant 0 : index
      %get3A_332 = arith.constant 0 : index
      %get3A_333 = vector.load %arg9[%get3A_331, %get3A_332] : memref<512x256xf32, #tpu.memory_space<vmem>>, vector<512x256xf32>
      %dot_general3A_334 = arith.constant dense<0.000000e+00> : vector<128x256xf32>
      %dot_general3A_335 = tpu.matmul %add3A_326, %get3A_333, %dot_general3A_334 {dimension_numbers = #tpu.dot_dimension_numbers<[1], [0], [0], [1], [0, 0, 1, 1], [], []>, transpose_lhs_hint = false} : vector<128x512xf32>, vector<512x256xf32>, vector<128x256xf32> -> vector<128x256xf32>
      %get3A_336 = arith.constant 0 : index
      %get3A_337 = arith.constant 0 : index
      %get3A_338 = vector.load %arg10[%get3A_336, %get3A_337] : memref<1x256xf32, #tpu.memory_space<vmem>>, vector<1x256xf32>
      %add3A_339 = vector.broadcast %get3A_338 : vector<1x256xf32> to vector<128x256xf32>
      %add3A_340 = arith.addf %dot_general3A_335, %add3A_339 : vector<128x256xf32>
      %jit3A_341 = arith.constant 0.00999999977 : f32
      %ge3A_342 = arith.constant 0.000000e+00 : f32
      %ge3A_343 = vector.broadcast %ge3A_342 : f32 to vector<128x256xf32>
      %ge3A_344 = arith.cmpf oge, %add3A_340, %ge3A_343 : vector<128x256xf32>
      %mul3A_345 = vector.broadcast %jit3A_341 : f32 to vector<128x256xf32>
      %mul3A_346 = arith.mulf %mul3A_345, %add3A_340 : vector<128x256xf32>
      %select_n3A_347 = arith.select %ge3A_344, %add3A_340, %mul3A_346 : vector<128x256xi1>, vector<128x256xf32>
      %get3A_348 = arith.constant 0 : index
      %get3A_349 = arith.constant 0 : index
      %get3A_350 = vector.load %arg11[%get3A_348, %get3A_349] : memref<1x256xf32, #tpu.memory_space<vmem>>, vector<1x256xf32>
      %mul3A_351 = vector.broadcast %get3A_350 : vector<1x256xf32> to vector<128x256xf32>
      %mul3A_352 = arith.mulf %select_n3A_347, %mul3A_351 : vector<128x256xf32>
      %reduce_sum3A_353 = arith.constant dense<0.000000e+00> : vector<128xf32>
      %reduce_sum3A_354 = vector.multi_reduction <add>, %mul3A_352, %reduce_sum3A_353 [1] : vector<128x256xf32> to vector<128xf32>
      %broadcast_in_dim3A_355 = vector.shape_cast %reduce_sum3A_354 : vector<128xf32> to vector<128x1xf32>
      %get3A_356 = arith.constant 0 : index
      %get3A_357 = arith.constant 0 : index
      %get3A_358 = vector.load %arg12[%get3A_356, %get3A_357] : memref<1x1xf32, #tpu.memory_space<vmem>>, vector<1x1xf32>
      %add3A_359 = vector.broadcast %get3A_358 : vector<1x1xf32> to vector<128x1xf32>
      %add3A_360 = arith.addf %broadcast_in_dim3A_355, %add3A_359 : vector<128x1xf32>
      %mul3A_361 = arith.constant 128 : i32
      %mul3A_362 = arith.muli %arg1, %mul3A_361 : i32
      %swap3A_363 = arith.index_cast %mul3A_362 : i32 to index
      %swap3A_364 = arith.constant 0 : index
      %swap3A_365 = vector.load %arg15[%swap3A_363, %swap3A_364] : memref<4096x1xf32, #tpu.memory_space<vmem>>, vector<128x1xf32>
      tpu.vector_store %arg15[%swap3A_363, %swap3A_364], %add3A_360 {strides = array<i32>} : memref<4096x1xf32, #tpu.memory_space<vmem>>, vector<128x1xf32>,
    } else {
    }
    %eq3A_2 = arith.constant 1 : i32
    %eq3A_3 = arith.cmpi eq, %arg0, %eq3A_2 : i32
    %convert_element_type3A_4 = arith.extui %eq3A_3 : i1 to i32
    %cond3A_5 = arith.constant 0 : i32
    %cond3A_6 = arith.cmpi ne, %convert_element_type3A_4, %cond3A_5 : i32
    scf.if %cond3A_6 {
      %get3A = arith.constant 0 : index
      %get3A_7 = arith.constant 0 : index
      %get3A_8 = vector.load %arg15[%get3A, %get3A_7] : memref<4096x1xf32, #tpu.memory_space<vmem>>, vector<4096x1xf32>
      %reduce_max3A = arith.constant dense<0xFF800000> : vector<1xf32>
      %reduce_max3A_9 = vector.multi_reduction <maximumf>, %get3A_8, %reduce_max3A [0] : vector<4096x1xf32> to vector<1xf32>
      %broadcast_in_dim3A = vector.shape_cast %reduce_max3A_9 : vector<1xf32> to vector<1x1xf32>
      %sub3A = vector.broadcast %broadcast_in_dim3A : vector<1x1xf32> to vector<4096x1xf32>
      %sub3A_10 = arith.subf %get3A_8, %sub3A : vector<4096x1xf32>
      %exp3A = math.exp %sub3A_10 : vector<4096x1xf32>
      %reduce_sum3A = arith.constant dense<0.000000e+00> : vector<1xf32>
      %reduce_sum3A_11 = vector.multi_reduction <add>, %exp3A, %reduce_sum3A [0] : vector<4096x1xf32> to vector<1xf32>
      %broadcast_in_dim3A_12 = vector.shape_cast %reduce_sum3A_11 : vector<1xf32> to vector<1x1xf32>
      %mul3A = arith.constant 128 : i32
      %mul3A_13 = arith.muli %arg1, %mul3A : i32
      %get3A_14 = arith.index_cast %mul3A_13 : i32 to index
      %get3A_15 = arith.constant 0 : index
      %get3A_16 = vector.load %arg15[%get3A_14, %get3A_15] : memref<4096x1xf32, #tpu.memory_space<vmem>>, vector<128x1xf32>
      %sub3A_17 = vector.broadcast %broadcast_in_dim3A : vector<1x1xf32> to vector<128x1xf32>
      %sub3A_18 = arith.subf %get3A_16, %sub3A_17 : vector<128x1xf32>
      %exp3A_19 = math.exp %sub3A_18 : vector<128x1xf32>
      %div3A = vector.broadcast %broadcast_in_dim3A_12 : vector<1x1xf32> to vector<128x1xf32>
      %div3A_20 = arith.divf %exp3A_19, %div3A : vector<128x1xf32>
      %eq3A_21 = arith.constant 0 : i32
      %eq3A_22 = arith.cmpi eq, %arg1, %eq3A_21 : i32
      %convert_element_type3A_23 = arith.extui %eq3A_22 : i1 to i32
      %cond3A_24 = arith.constant 0 : i32
      %cond3A_25 = arith.cmpi ne, %convert_element_type3A_23, %cond3A_24 : i32
      scf.if %cond3A_25 {
        %broadcast_in_dim3A_41 = arith.constant 0.000000e+00 : f32
        %broadcast_in_dim3A_42 = vector.broadcast %broadcast_in_dim3A_41 : f32 to vector<1x512xf32>
        %swap3A_43 = arith.constant 0 : index
        %swap3A_44 = arith.constant 0 : index
        %swap3A_45 = vector.load %arg13[%swap3A_43, %swap3A_44] : memref<1x512xf32, #tpu.memory_space<vmem>>, vector<1x512xf32>
        tpu.vector_store %arg13[%swap3A_43, %swap3A_44], %broadcast_in_dim3A_42 {strides = array<i32>} : memref<1x512xf32, #tpu.memory_space<vmem>>, vector<1x512xf32>,
      } else {
      }
      %get3A_26 = arith.constant 0 : index
      %get3A_27 = arith.constant 0 : index
      %get3A_28 = vector.load %arg13[%get3A_26, %get3A_27] : memref<1x512xf32, #tpu.memory_space<vmem>>, vector<1x512xf32>
      %mul3A_29 = arith.constant 128 : i32
      %mul3A_30 = arith.muli %arg1, %mul3A_29 : i32
      %get3A_31 = arith.index_cast %mul3A_30 : i32 to index
      %get3A_32 = arith.constant 0 : index
      %get3A_33 = vector.load %arg14[%get3A_31, %get3A_32] : memref<4096x512xf32, #tpu.memory_space<vmem>>, vector<128x512xf32>
      %mul3A_34 = vector.broadcast %div3A_20 : vector<128x1xf32> to vector<128x512xf32>
      %mul3A_35 = arith.mulf %mul3A_34, %get3A_33 : vector<128x512xf32>
      %reduce_sum3A_36 = arith.constant dense<0.000000e+00> : vector<512xf32>
      %reduce_sum3A_37 = vector.multi_reduction <add>, %mul3A_35, %reduce_sum3A_36 [0] : vector<128x512xf32> to vector<512xf32>
      %broadcast_in_dim3A_38 = vector.shape_cast %reduce_sum3A_37 : vector<512xf32> to vector<1x512xf32>
      %add3A = arith.addf %get3A_28, %broadcast_in_dim3A_38 : vector<1x512xf32>
      %swap3A = arith.constant 0 : index
      %swap3A_39 = arith.constant 0 : index
      %swap3A_40 = vector.load %arg13[%swap3A, %swap3A_39] : memref<1x512xf32, #tpu.memory_space<vmem>>, vector<1x512xf32>
      tpu.vector_store %arg13[%swap3A, %swap3A_39], %add3A {strides = array<i32>} : memref<1x512xf32, #tpu.memory_space<vmem>>, vector<1x512xf32>,
    } else {
    }
    return
  }
  func.func @transform_0(%arg0: i32, %arg1: i32) -> (i32, i32) {
    %eq3A = arith.constant 0 : i32
    %eq3A_0 = arith.cmpi eq, %arg0, %eq3A : i32
    %jit3A = arith.constant 0 : i32
    %select_n3A = arith.select %eq3A_0, %arg1, %jit3A : i32
    %c0_i32 = arith.constant 0 : i32
    %c0_i32_1 = arith.constant 0 : i32
    return %select_n3A, %c0_i32 : i32, i32
  }
  func.func @transform_1(%arg0: i32, %arg1: i32) -> (i32, i32) {
    %eq3A = arith.constant 0 : i32
    %eq3A_0 = arith.cmpi eq, %arg0, %eq3A : i32
    %jit3A = arith.constant 0 : i32
    %select_n3A = arith.select %eq3A_0, %arg1, %jit3A : i32
    %c0_i32 = arith.constant 0 : i32
    %c0_i32_1 = arith.constant 0 : i32
    return %select_n3A, %c0_i32 : i32, i32
  }
  func.func @transform_2(%arg0: i32, %arg1: i32) -> (i32, i32, i32) {
    %eq3A = arith.constant 0 : i32
    %eq3A_0 = arith.cmpi eq, %arg0, %eq3A : i32
    %jit3A = arith.constant 0 : i32
    %select_n3A = arith.select %eq3A_0, %arg1, %jit3A : i32
    %c0_i32 = arith.constant 0 : i32
    %c0_i32_1 = arith.constant 0 : i32
    %c0_i32_2 = arith.constant 0 : i32
    return %select_n3A, %c0_i32, %c0_i32_1 : i32, i32, i32
  }
  func.func @transform_3(%arg0: i32, %arg1: i32) -> (i32, i32) {
    %c0_i32 = arith.constant 0 : i32
    %c0_i32_0 = arith.constant 0 : i32
    %c0_i32_1 = arith.constant 0 : i32
    return %c0_i32, %c0_i32_0 : i32, i32
  }
  func.func @transform_4(%arg0: i32, %arg1: i32) -> (i32, i32) {
    %c0_i32 = arith.constant 0 : i32
    %c0_i32_0 = arith.constant 0 : i32
    %c0_i32_1 = arith.constant 0 : i32
    return %c0_i32, %c0_i32_0 : i32, i32
  }
  func.func @transform_5(%arg0: i32, %arg1: i32) -> (i32, i32) {
    %c0_i32 = arith.constant 0 : i32
    %c0_i32_0 = arith.constant 0 : i32
    %c0_i32_1 = arith.constant 0 : i32
    return %c0_i32, %c0_i32_0 : i32, i32
  }
  func.func @transform_6(%arg0: i32, %arg1: i32) -> (i32, i32) {
    %c0_i32 = arith.constant 0 : i32
    %c0_i32_0 = arith.constant 0 : i32
    %c0_i32_1 = arith.constant 0 : i32
    return %c0_i32, %c0_i32_0 : i32, i32
  }
  func.func @transform_7(%arg0: i32, %arg1: i32) -> (i32, i32) {
    %c0_i32 = arith.constant 0 : i32
    %c0_i32_0 = arith.constant 0 : i32
    %c0_i32_1 = arith.constant 0 : i32
    return %c0_i32, %c0_i32_0 : i32, i32
  }
  func.func @transform_8(%arg0: i32, %arg1: i32) -> (i32, i32) {
    %c0_i32 = arith.constant 0 : i32
    %c0_i32_0 = arith.constant 0 : i32
    %c0_i32_1 = arith.constant 0 : i32
    return %c0_i32, %c0_i32_0 : i32, i32
  }
  func.func @transform_9(%arg0: i32, %arg1: i32) -> (i32, i32) {
    %c0_i32 = arith.constant 0 : i32
    %c0_i32_0 = arith.constant 0 : i32
    %c0_i32_1 = arith.constant 0 : i32
    return %c0_i32, %c0_i32_0 : i32, i32
  }
  func.func @transform_10(%arg0: i32, %arg1: i32) -> (i32, i32) {
    %c0_i32 = arith.constant 0 : i32
    %c0_i32_0 = arith.constant 0 : i32
    %c0_i32_1 = arith.constant 0 : i32
    return %c0_i32, %c0_i32_0 : i32, i32
  }
  func.func @transform_11(%arg0: i32, %arg1: i32) -> (i32, i32) {
    %c0_i32 = arith.constant 0 : i32
    %c0_i32_0 = arith.constant 0 : i32
    %c0_i32_1 = arith.constant 0 : i32
    return %c0_i32, %c0_i32_0 : i32, i32
  }
}

</mosaic_0001>

<sc_bundles>
// kernel: kernel.5.cloned.1.call-start
scs
__scs_entry_jumppad:
0x0: {  	(pc) =	sbr.rel $0x88, $3  }
0x1: {  	(tag) =	ssettag $0x0;
	lr =	simm.s32 $0x1  }
0x2: {  	[smem:$0x3F92] =	sst lr;
	_ =	strace $0xD0000000  }
0x3: {  	_ = 	snop  }
0x4: {  	_ = 	snop  }
0x5: {  	_ = 	snop  }
0x6: {  	_ = 	snop  }
0x7: {  	_ = 	snop  }
__scs_overlays_trampoline_lowered:
0x8: {  	[smem:$0x3FA1] =	sst s0  }
0x9: {  	[smem:$0x3FA2] =	sst s1  }
0xa: {  	[smem:$0x3FA3] =	sst s2  }
0xb: {  	[smem:$0x3FA4] =	sst s3  }
0xc: {  	[smem:$0x3FA5] =	sst s4  }
0xd: {  	[smem:$0x3FA6] =	sst s5  }
0xe: {  	[smem:$0x3FA7] =	sst s6  }
0xf: {  	[smem:$0x3FA8] =	sst s7  }
0x10: {  	[smem:$0x3FA9] =	sst s8  }
0x11: {  	[smem:$0x3FAA] =	sst s9;
	s0 =	simm.s32 @!p0 $0x0  }
0x12: {  	s1 =	sld [smem:$0x3F90];
	s0 =	simm.s32 @p0 $0x1  }
0x13: {  	[smem:$0x3FAB] =	sst s0;
	s0 =	simm.s32 @!p1 $0x0  }
0x14: {  	s2 =	sld [smem:$0x3F8F];
	s0 =	simm.s32 @p1 $0x1  }
0x15: {  	[smem:$0x3FAC] =	sst s0;
	s0 =	simm.s32 @!p2 $0x0  }
0x16: {  	s3 =	sld [smem:$0x3FDB];
	s0 =	simm.s32 @p2 $0x1  }
0x17: {  	s4 =	simm.s32 $0x1BF5;
	[smem:$0x3FAE] =	sst s0  }
0x18: {  	s0 =	sld [smem:$0x3F91];
	_ =	swait.ge [sflag:s4], $0x0  }
0x19: {  	s7 =	sld [smem:$0x3F92]  }
0x1a: {  	s8 =	sadd.s32 $0xFFFFE003, lr  }
0x1b: {  	s9 =	sadd.s32 $0xFFFFFEF7, lr;
	s5 =	simm.s32 $0xFFFFFFFF;
	p2 =	slt.u32 s8, $0xFFFFF086  }
0x1c: {  	p1 =	slt.u32 s9, $0xF7A;
	s5 =	simm.s32 @!p2 $0x0  }
0x1d: {  	s5 =	simm.s32 @p1 $0x1;
	p0 =	seq.s32 s7, s2  }
0x1e: {  	s7 =	smul.u32 @!p0 $0xF7A, s2;
	p2 =	seq.s32 @!p0 s5, $0x0  }
0x1f: {  	s9 =	smul.u32 $0xF7A, s1;
	s8 =	simm.s32 @!p0 $0x1BF5;
	p2 =	por !p2, p0  }
0x20: {  	[sflag:s8] =	ssyncset.s32 @!p0 $0xFFFFF086;
	s6 =	sadd.s32 @!p0 s3, s7;
	s7 =	simm.s32 @!p0 $0x108  }
0x21: {  	s3 =	sadd.s32 s3, s9;
	s6 =	sadd.s32 @!p0 $0x88, s6;
	s7 =	simm.s32 @p2 $0x1082  }
0x22: {  	[simem:s7], [sflag:s8] =	dma.local @!p0 [hbm:s6], $0xF7A  }
0x23: {  	s9 =	sor.u32 $0xD0000000, s2;
	s6 =	simm.s32 $0x108;
	_ =	swait.ge @!p0 [sflag:s8], $0x0  }
0x24: {  	s3 =	sadd.s32 $0x88, s3;
	s6 =	simm.s32 @!p1 $0x1082;
	[sflag:s4] =	ssyncset.s32 $0xFFFFF086  }
0x25: {  	[simem:s6], [sflag:s4] =	dma.local [hbm:s3], $0xF7A  }
0x26: {  	[smem:$0x3F92] =	sst s1;
	(tag) =	ssettag s2;
	_ =	strace s9  }
0x27: {  	s1 =	sld [smem:$0x3FA2]  }
0x28: {  	s2 =	sld [smem:$0x3FA3]  }
0x29: {  	s4 =	sld [smem:$0x3FA5]  }
0x2a: {  	p0 =	seq.s32 s5, $0x0;
	s5 =	sld [smem:$0x3FA6]  }
0x2b: {  	s6 =	sld [smem:$0x3FA7]  }
0x2c: {  	s7 =	sld [smem:$0x3FA8]  }
0x2d: {  	s3 =	simm.s32 $0x108;
	s8 =	sld [smem:$0x3FA9]  }
0x2e: {  	s3 =	simm.s32 @!p0 $0x1082;
	s9 =	sld [smem:$0x3FAA]  }
0x2f: {  	lr =	sadd.s32 s0, s3;
	s0 =	sld [smem:$0x3FA1]  }
0x30: {  	s3 =	sld [smem:$0x3FA4]  }
0x31: {  	[smem:$0x3FAD] =	sst s10  }
0x32: {  	s10 =	sld [smem:$0x3FAB];
	_ =	sdelay $0x3  }
0x33: {  	p0 =	seq.s32 s10, $0x1;
	s10 =	sld [smem:$0x3FAD];
	_ =	sdelay $0x3  }
0x34: {  	[smem:$0x3FAD] =	sst s10  }
0x35: {  	s10 =	sld [smem:$0x3FAC];
	_ =	sdelay $0x3  }
0x36: {  	p1 =	seq.s32 s10, $0x1;
	s10 =	sld [smem:$0x3FAD];
	_ =	sdelay $0x3  }
0x37: {  	[smem:$0x3FAD] =	sst s10  }
0x38: {  	s10 =	sld [smem:$0x3FAE]  }
0x39: {  	_ = 	snop;
	(pc) =	sbr.ind lr, $3  }
0x3a: {  	_ = 	snop  }
0x3b: {  	_ = 	snop  }
0x3c: {  	p2 =	seq.s32 s10, $0x1;
	s10 =	sld [smem:$0x3FAD]  }
0x3d: {  	_ =	shalt  }
0x3e: {  	_ =	shalt  }
0x3f: {  	_ =	shalt  }
0x40: {  	_ =	shalt  }
0x41: {  	_ =	shalt  }
0x42: {  	_ =	shalt  }
0x43: {  	_ =	shalt  }
0x44: {  	_ =	shalt  }
0x45: {  	_ =	shalt  }
0x46: {  	_ =	shalt  }
0x47: {  	_ =	shalt  }
0x48: {  	_ =	shalt  }
0x49: {  	_ =	shalt  }
0x4a: {  	_ =	shalt  }
0x4b: {  	_ =	shalt  }
0x4c: {  	_ =	shalt  }
0x4d: {  	_ =	shalt  }
0x4e: {  	_ =	shalt  }
0x4f: {  	_ =	shalt  }
0x50: {  	_ =	shalt  }
0x51: {  	_ =	shalt  }
0x52: {  	_ =	shalt  }
0x53: {  	_ =	shalt  }
0x54: {  	_ =	shalt  }
0x55: {  	_ =	shalt  }
0x56: {  	_ =	shalt  }
0x57: {  	_ =	shalt  }
0x58: {  	_ =	shalt  }
0x59: {  	_ =	shalt  }
0x5a: {  	_ =	shalt  }
0x5b: {  	_ =	shalt  }
0x5c: {  	_ =	shalt  }
0x5d: {  	_ =	shalt  }
0x5e: {  	_ =	shalt  }
0x5f: {  	_ =	shalt  }
0x60: {  	_ =	shalt  }
0x61: {  	_ =	shalt  }
0x62: {  	_ =	shalt  }
0x63: {  	_ =	shalt  }
0x64: {  	_ =	shalt  }
0x65: {  	_ =	shalt  }
0x66: {  	_ =	shalt  }
0x67: {  	_ =	shalt  }
0x68: {  	_ =	shalt  }
0x69: {  	_ =	shalt  }
0x6a: {  	_ =	shalt  }
0x6b: {  	_ =	shalt  }
0x6c: {  	_ =	shalt  }
0x6d: {  	_ =	shalt  }
0x6e: {  	_ =	shalt  }
0x6f: {  	_ =	shalt  }
0x70: {  	_ =	shalt  }
0x71: {  	_ =	shalt  }
0x72: {  	_ =	shalt  }
0x73: {  	_ =	shalt  }
0x74: {  	_ =	shalt  }
0x75: {  	_ =	shalt  }
0x76: {  	_ =	shalt  }
0x77: {  	_ =	shalt  }
0x78: {  	_ =	shalt  }
0x79: {  	_ =	shalt  }
0x7a: {  	_ =	shalt  }
0x7b: {  	_ =	shalt  }
0x7c: {  	_ =	shalt  }
0x7d: {  	_ =	shalt  }
0x7e: {  	_ =	shalt  }
0x7f: {  	_ =	shalt  }
0x80: {  	_ =	shalt  }
0x81: {  	_ =	shalt  }
0x82: {  	_ =	shalt  }
0x83: {  	_ =	shalt  }
0x84: {  	_ =	shalt  }
0x85: {  	_ =	shalt  }
0x86: {  	_ =	shalt  }
0x87: {  	_ =	shalt  }
.Lfunc_end0:
.L_simem_size_0:
called_computation_lowered:
.L_overlay_start_0:
0x88: {  	s2 =	sld [smem:$0x3FD9]  }
0x89: {  	s3 =	sld [smem:$0x3FFE];
	_ =	sdelay $0x1  }
0x8a: {  	s1 =	srdreg.scid  }
0x8b: {  	s0 =	sand.u32 $0x1, s1  }
0x8c: {  	s16 =	sshll.u32 s0, $0xA;
	s2 =	sadd.s32 s3, s2  }
0x8d: {  	s2 =	sadd.s32 s2, s16  }
0x8e: {  	[smem:$0x3FB9] =	sst s2  }
0x8f: {  	_ = 	snop  }
0x90: {  	(tm) =	ssettm $0x1  }
0x91: {  	s17 =	sld [smem:$0x3FFB];
	_ =	sdelay $0x3  }
0x92: {  	_ =	strace s17  }
0x93: {  	s2 =	sld [smem:$0x3FFC];
	_ =	sdelay $0x3  }
0x94: {  	_ =	strace s2  }
0x95: {  	s2 =	sld [smem:$0x3FFD];
	_ =	sdelay $0x3  }
0x96: {  	_ =	strace s2  }
0x97: {  	_ =	strace $0x8FFFFFFF  }
0x98: {  	s18 =	sld [smem:$0x3FDB];
	_ =	sdelay $0x1  }
0x99: {  	s19 =	simm.s32 $_scs_section_size  }
0x9a: {  	s4 =	simm.s32 $_size__tile_overlayer_lowered;
	s5 =	simm.s32 $_tile_overlayer_lowered  }
0x9b: {  	s22 =	simm.s32 $0x1BFF;
	s21 =	sshll.u32 s5, $0x1;
	s2 =	sadd.s32 s19, s18  }
0x9c: {  	s6 =	simm.s32 $0x0;
	s20 =	sshll.u32 s4, $0x1;
	s4 =	sadd.s32 s21, s2  }
0x9d: {  	[timem:s6], [sflag:s22] =	dma.local [hbm:s4], s20  }
0x9e: {  	_ =	swait.ge [sflag:s22], s20  }
0x9f: {  	s3 =	ssub.s32 $0x0, s20;
	[sflag:s22] =	ssyncset.done $0x0  }
0xa0: {  	[sflag:s22] =	ssyncadd.s32 s3;
	_ =	sdelay $0x1  }
0xa1: {  	s23 =	simm.s32 $0x1B8B  }
0xa2: {  	_ =	swait.ge [sflag:s23], $0x1  }
0xa3: {  	[sflag:s23] =	ssyncset.done $0x0  }
0xa4: {  	s25 =	simm.s32 $0x1B8E;
	s24 =	sld [smem:$0x3FFE];
	[sflag:s23] =	ssyncadd.s32 $0xFFFFFFFF  }
0xa5: {  	s26 =	simm.s32 $execute0_lowered;
	[smem:$0x3FD2] =	sst s25  }
0xa6: {  	s4 =	sshll.u32 s26, $0x1;
	_ =	strace $0x80000046;
	[dreg:$0x1] =	wrdreg $0xFFFFFFFF  }
0xa7: {  	s28 =	simm.s32 $_size_execute0_lowered;
	s2 =	sadd.s32 s2, s4;
	[dreg:$0x0] =	wrdreg $0x0  }
0xa8: {  	s4 =	sshll.u32 s28, $0x1;
	[dreg:$0x2] =	wrdreg s2  }
0xa9: {  	[dreg:$0x3] =	wrdreg s4  }
0xaa: {  	[dreg:$0x4] =	wrdreg $0xC0  }
0xab: {  	_ =	task [dreg:s6], $0x5FFFF  }
0xac: {  	[dreg:$0x1] =	wrdreg $0xFFFFFFFF  }
0xad: {  	[dreg:$0x0] =	wrdreg $0x60  }
0xae: {  	[dreg:$0x2] =	wrdreg s24  }
0xaf: {  	[dreg:$0x3] =	wrdreg $0x9  }
0xb0: {  	_ =	task.clear_ibuf [dreg:s6], $0x4FFFF;
	_ =	strace $0x90000046  }
0xb1: {  	s29 =	simm.s32 $0x9;
	_ =	strace $0x80000048  }
0xb2: {  	_ =	swait.ge [sflag:s29], $0x1  }
0xb3: {  	[sflag:s29] =	ssyncadd.s32 $0xFFFFFFFF  }
0xb4: {  	_ =	strace $0x90000048  }
0xb5: {  	_ =	sfence  }
0xb6: {  	s30 =	sld [smem:$0x0];
	_ =	sdelay $0x2  }
0xb7: {  	s31 =	sshll.u32 s1, $0xD;
	s1 =	sshrl.u32 s1, $0x2  }
0xb8: {  	s3 =	sand.u32 $0x4000, s31;
	s1 =	sadd.s32 s1, s30  }
0xb9: {  	s0 =	sor.u32 s3, s0;
	s1 =	sshll.u32 s1, $0x11  }
0xba: {  	s0 =	sor.u32 s1, s0  }
0xbb: {  	s0 =	sadd.s32 $0x8F2B, s0  }
0xbc: {  	[sflag:s0] =	ssyncadd.remote.s32 $0x1  }
0xbd: {  	_ =	sfence.sel $0xFFFF  }
0xbe: {  	[dreg:$0x0] =	wrdreg $0xFFFFFFFF;
	(pc) =	sbr.abs _section_cstart, $3  }
0xbf: {  	[dreg:$0x1] =	wrdreg $0xFFFFFFFF  }
0xc0: {  	_ =	task.clear_ibuf [dreg:s6], $0x2FFFF;
	_ =	strace $0x9FFFFFFF  }
0xc1: {  	(tm) =	ssettm $0x7FFFFFFF  }
tec
execute0_lowered:
.L_overlay_start_1:
0x0: {  	(tag) =	ssettag $0x1  }
0x1: {  	s0 =	srdreg.scid;
	s1 =	stileid.u32  }
0x2: {  	s0 =	sand.u32 $0x1, s0;
	s1 =	sshll.u32 s1, $0x1  }
0x3: {  	s1 =	sor.u32 s0, s1  }
0x4: {  	s3 =	rddreg [dreg:$0x0];
	s4 =	smul.u32 $0x60, s1  }
0x5: {  	s2 =	simm.s32 $0x0;
	s13 =	simm.s32 $0x3300;
	s5 =	smul.u32 $0x6000, s1  }
0x6: {  	s8 =	simm.s32 $0x3;
	s9 =	simm.s32 $0x7;
	s6 =	sadd.s32 $0x63800, s3  }
0x7: {  	[smem:$0x7FF] =	sst s2;
	s4 =	sadd.s32 s4, s3;
	s5 =	sadd.s32 s6, s5  }
0x8: {  	_ =	strace $0x80000047;
	s4 =	sadd.s32 $0x62C00, s4;
	[dreg:$0x12] =	wrdreg s5  }
0x9: {  	s10 =	simm.s32 $0x4;
	s16 =	sadd.s32 $0x600, s5;
	[dreg:$0x2] =	wrdreg s4  }
0xa: {  	s1 =	smul.u32 $0x30000, s1;
	s17 =	sadd.s32 $0xC00, s5;
	[dreg:$0x3] =	wrdreg s16  }
0xb: {  	s11 =	simm.s32 $0x8;
	s18 =	sadd.s32 $0x1200, s5;
	[dreg:$0x4] =	wrdreg s17  }
0xc: {  	s1 =	sshrl.u32 s1, $0x3;
	s19 =	sadd.s32 $0x1800, s5;
	[dreg:$0x5] =	wrdreg s18  }
0xd: {  	s20 =	sadd.s32 $0x1E00, s5;
	s1 =	sadd.s32 s6, s1;
	[dreg:$0x6] =	wrdreg s19  }
0xe: {  	s0 =	ssub.s32 $0x2, s0;
	[dreg:$0x7] =	wrdreg s20;
	s21 =	sadd.s32 $0x2400, s1  }
0xf: {  	s30 =	sshrl.u32 s0, $0x1;
	s22 =	sadd.s32 $0x2A00, s1;
	[dreg:$0x8] =	wrdreg s21  }
0x10: {  	s0 =	ssub.s32 s0, s30;
	s23 =	sadd.s32 $0x3000, s1;
	[dreg:$0x9] =	wrdreg s22  }
0x11: {  	s5 =	smax.u32 s0, $0x1;
	s24 =	sadd.s32 $0x3600, s1;
	[dreg:$0xa] =	wrdreg s23  }
0x12: {  	s0 =	simm.s32 $0x5;
	s25 =	sadd.s32 $0x3C00, s1;
	[dreg:$0xb] =	wrdreg s24  }
0x13: {  	s6 =	simm.s32 $0x6;
	s26 =	sadd.s32 $0x4200, s1;
	[dreg:$0xc] =	wrdreg s25  }
0x14: {  	s28 =	sadd.s32 $0x4800, s1;
	s29 =	sadd.s32 $0x4E00, s1;
	[dreg:$0xd] =	wrdreg s26  }
0x15: {  	s31 =	sadd.s32 $0x5400, s1;
	s1 =	sadd.s32 $0x5A00, s1;
	[dreg:$0xe] =	wrdreg s28  }
0x16: {  	v2 =	vlaneseq.u32;
	s4 =	sadd.s32 $0x42C00, s3;
	s18 =	simm.s32 $0x300;
	[dreg:$0xf] =	wrdreg s29  }
0x17: {  	vm0 =	vmmov $0xffff;
	v1 =	vshrl.u32 v2, $0x3;
	s19 =	simm.s32 $0x6300;
	s3 =	simm.s32 $0x2;
	[dreg:$0x10] =	wrdreg s31  }
0x18: {  	v0 =	vand.u32 $0x7, v2;
	v2 =	vor.u32 $0x8, v2;
	v1 =	vmul.u32 $0x8, v1;
	[dreg:$0x11] =	wrdreg s1;
	s25 =	simm.s32 $0x9300;
	s1 =	simm.s32 $0x1  }
.LBB2_1:
0x19: {  	s12 =	rddreg [dreg:$0x2];
	s7 =	simm.s32 $0x9  }
0x1a: {  	[tilespmem:s2], [sflag:$0x9] =	stream.linear.gather [hbm4b:s12+s2], $0x300, $0x38;
	[tilespmem:$0xC300] =	vst v63  }
0x1b: {  	_ =	swait.ge [sflag:s7], $0x300  }
0x1c: {  	[sflag:s7] =	ssyncset.done $0x0  }
0x1d: {  	[sflag:s7] =	ssyncadd.s32 $0xFFFFFD00  }
0x1e: {  	v3 =	vld [tilespmem:$0x0];
	_ =	sdelay $0x4  }
0x1f: {  	v4 =	vshll.u32 v3, $0x1  }
0x20: {  	v3 =	vand.u32 $0x7, v3;
	v4 =	vand.u32 $0xFFFFFFF0, v4  }
0x21: {  	v3 =	vor.u32 v3, v4  }
0x22: {  	v4 =	vperm.xlane v3, v0;
	_ =	sdelay $0x1  }
0x23: {  	v3 =	vperm.xlane v3, v2;
	v4 =	vadd.s32 v1, v4;
	_ =	sdelay $0x1  }
0x24: {  	v3 =	vadd.s32 v1, v3;
	_ =	sdelay $0x2  }
0x25: {  	[tilespmem:s18], [sflag:$0x1] =	stream.indirect_vreg.gather [hbm4b:s4+s2], $0x80, v4, vm0, $0xb8;
	[tilespmem:$0xC300] =	vst v63  }
0x26: {  	s7 =	simm.s32 $0xB00  }
0x27: {  	[tilespmem:s7], [sflag:$0x1] =	stream.indirect_vreg.gather [hbm4b:s4+s2], $0x80, v3, vm0, $0xb8;
	[tilespmem:$0xC300] =	vst v63  }
0x28: {  	v3 =	vld [tilespmem:$0x10];
	_ =	sdelay $0x4  }
0x29: {  	v17 =	vshll.u32 v3, $0x1  }
0x2a: {  	v3 =	vand.u32 $0x7, v3;
	v4 =	vand.u32 $0xFFFFFFF0, v17  }
0x2b: {  	v3 =	vor.u32 v3, v4  }
0x2c: {  	v4 =	vperm.xlane v3, v0;
	_ =	sdelay $0x1  }
0x2d: {  	v3 =	vperm.xlane v3, v2;
	v4 =	vadd.s32 v1, v4;
	_ =	sdelay $0x1  }
0x2e: {  	v3 =	vadd.s32 v1, v3;
	_ =	sdelay $0x1  }
0x2f: {  	s14 =	simm.s32 $0x1300  }
0x30: {  	[tilespmem:s14], [sflag:$0x1] =	stream.indirect_vreg.gather [hbm4b:s4+s2], $0x80, v4, vm0, $0xb8;
	[tilespmem:$0xC300] =	vst v63  }
0x31: {  	s15 =	simm.s32 $0x1B00  }
0x32: {  	[tilespmem:s15], [sflag:$0x1] =	stream.indirect_vreg.gather [hbm4b:s4+s2], $0x80, v3, vm0, $0xb8;
	[tilespmem:$0xC300] =	vst v63  }
0x33: {  	v3 =	vld [tilespmem:$0x20];
	_ =	sdelay $0x4  }
0x34: {  	v18 =	vshll.u32 v3, $0x1  }
0x35: {  	v3 =	vand.u32 $0x7, v3;
	v4 =	vand.u32 $0xFFFFFFF0, v18  }
0x36: {  	v3 =	vor.u32 v3, v4  }
0x37: {  	v4 =	vperm.xlane v3, v0;
	_ =	sdelay $0x1  }
0x38: {  	v3 =	vperm.xlane v3, v2;
	v4 =	vadd.s32 v1, v4;
	_ =	sdelay $0x1  }
0x39: {  	v3 =	vadd.s32 v1, v3;
	_ =	sdelay $0x1  }
0x3a: {  	s16 =	simm.s32 $0x2300  }
0x3b: {  	[tilespmem:s16], [sflag:$0x1] =	stream.indirect_vreg.gather [hbm4b:s4+s2], $0x80, v4, vm0, $0xb8;
	[tilespmem:$0xC300] =	vst v63  }
0x3c: {  	s17 =	simm.s32 $0x2B00  }
0x3d: {  	[tilespmem:s17], [sflag:$0x1] =	stream.indirect_vreg.gather [hbm4b:s4+s2], $0x80, v3, vm0, $0xb8;
	[tilespmem:$0xC300] =	vst v63  }
0x3e: {  	v3 =	vld [tilespmem:$0x30];
	_ =	sdelay $0x4  }
0x3f: {  	v19 =	vshll.u32 v3, $0x1  }
0x40: {  	v3 =	vand.u32 $0x7, v3;
	v4 =	vand.u32 $0xFFFFFFF0, v19  }
0x41: {  	v3 =	vor.u32 v3, v4  }
0x42: {  	v4 =	vperm.xlane v3, v0;
	_ =	sdelay $0x1  }
0x43: {  	v3 =	vperm.xlane v3, v2;
	v4 =	vadd.s32 v1, v4;
	_ =	sdelay $0x1  }
0x44: {  	v3 =	vadd.s32 v1, v3;
	_ =	sdelay $0x2  }
0x45: {  	[tilespmem:s13], [sflag:$0x2] =	stream.indirect_vreg.gather [hbm4b:s4+s2], $0x80, v4, vm0, $0xb8;
	[tilespmem:$0xC300] =	vst v63  }
0x46: {  	s20 =	simm.s32 $0x3B00  }
0x47: {  	[tilespmem:s20], [sflag:$0x2] =	stream.indirect_vreg.gather [hbm4b:s4+s2], $0x80, v3, vm0, $0xb8;
	[tilespmem:$0xC300] =	vst v63  }
0x48: {  	v3 =	vld [tilespmem:$0x40];
	_ =	sdelay $0x4  }
0x49: {  	v20 =	vshll.u32 v3, $0x1  }
0x4a: {  	v3 =	vand.u32 $0x7, v3;
	v4 =	vand.u32 $0xFFFFFFF0, v20  }
0x4b: {  	v3 =	vor.u32 v3, v4  }
0x4c: {  	v4 =	vperm.xlane v3, v0;
	_ =	sdelay $0x1  }
0x4d: {  	v3 =	vperm.xlane v3, v2;
	v4 =	vadd.s32 v1, v4;
	_ =	sdelay $0x1  }
0x4e: {  	v3 =	vadd.s32 v1, v3;
	_ =	sdelay $0x1  }
0x4f: {  	s22 =	simm.s32 $0x4300  }
0x50: {  	[tilespmem:s22], [sflag:$0x2] =	stream.indirect_vreg.gather [hbm4b:s4+s2], $0x80, v4, vm0, $0xb8;
	[tilespmem:$0xC300] =	vst v63  }
0x51: {  	s23 =	simm.s32 $0x4B00  }
0x52: {  	[tilespmem:s23], [sflag:$0x2] =	stream.indirect_vreg.gather [hbm4b:s4+s2], $0x80, v3, vm0, $0xb8;
	[tilespmem:$0xC300] =	vst v63  }
0x53: {  	v3 =	vld [tilespmem:$0x50];
	_ =	sdelay $0x4  }
0x54: {  	v21 =	vshll.u32 v3, $0x1  }
0x55: {  	v3 =	vand.u32 $0x7, v3;
	v4 =	vand.u32 $0xFFFFFFF0, v21  }
0x56: {  	v3 =	vor.u32 v3, v4  }
0x57: {  	v4 =	vperm.xlane v3, v0;
	_ =	sdelay $0x1  }
0x58: {  	v3 =	vperm.xlane v3, v2;
	v4 =	vadd.s32 v1, v4;
	_ =	sdelay $0x1  }
0x59: {  	v3 =	vadd.s32 v1, v3;
	_ =	sdelay $0x1  }
0x5a: {  	s24 =	simm.s32 $0x5300  }
0x5b: {  	[tilespmem:s24], [sflag:$0x2] =	stream.indirect_vreg.gather [hbm4b:s4+s2], $0x80, v4, vm0, $0xb8;
	[tilespmem:$0xC300] =	vst v63  }
0x5c: {  	s26 =	simm.s32 $0x5B00  }
0x5d: {  	[tilespmem:s26], [sflag:$0x2] =	stream.indirect_vreg.gather [hbm4b:s4+s2], $0x80, v3, vm0, $0xb8;
	[tilespmem:$0xC300] =	vst v63  }
0x5e: {  	v3 =	vld [tilespmem:$0x60];
	_ =	sdelay $0x4  }
0x5f: {  	v22 =	vshll.u32 v3, $0x1  }
0x60: {  	v3 =	vand.u32 $0x7, v3;
	v4 =	vand.u32 $0xFFFFFFF0, v22  }
0x61: {  	v3 =	vor.u32 v3, v4  }
0x62: {  	v4 =	vperm.xlane v3, v0;
	_ =	sdelay $0x1  }
0x63: {  	v3 =	vperm.xlane v3, v2;
	v4 =	vadd.s32 v1, v4;
	_ =	sdelay $0x1  }
0x64: {  	v3 =	vadd.s32 v1, v3;
	_ =	sdelay $0x2  }
0x65: {  	[tilespmem:s19], [sflag:$0x3] =	stream.indirect_vreg.gather [hbm4b:s4+s2], $0x80, v4, vm0, $0xb8;
	[tilespmem:$0xC300] =	vst v63  }
0x66: {  	s28 =	simm.s32 $0x6B00  }
0x67: {  	[tilespmem:s28], [sflag:$0x3] =	stream.indirect_vreg.gather [hbm4b:s4+s2], $0x80, v3, vm0, $0xb8;
	[tilespmem:$0xC300] =	vst v63  }
0x68: {  	v3 =	vld [tilespmem:$0x70];
	_ =	sdelay $0x4  }
0x69: {  	v23 =	vshll.u32 v3, $0x1  }
0x6a: {  	v3 =	vand.u32 $0x7, v3;
	v4 =	vand.u32 $0xFFFFFFF0, v23  }
0x6b: {  	v3 =	vor.u32 v3, v4  }
0x6c: {  	v4 =	vperm.xlane v3, v0;
	_ =	sdelay $0x1  }
0x6d: {  	v3 =	vperm.xlane v3, v2;
	v4 =	vadd.s32 v1, v4;
	_ =	sdelay $0x1  }
0x6e: {  	v3 =	vadd.s32 v1, v3;
	_ =	sdelay $0x1  }
0x6f: {  	s29 =	simm.s32 $0x7300  }
0x70: {  	[tilespmem:s29], [sflag:$0x3] =	stream.indirect_vreg.gather [hbm4b:s4+s2], $0x80, v4, vm0, $0xb8;
	[tilespmem:$0xC300] =	vst v63  }
0x71: {  	s30 =	simm.s32 $0x7B00  }
0x72: {  	[tilespmem:s30], [sflag:$0x3] =	stream.indirect_vreg.gather [hbm4b:s4+s2], $0x80, v3, vm0, $0xb8;
	[tilespmem:$0xC300] =	vst v63  }
0x73: {  	v3 =	vld [tilespmem:$0x80];
	_ =	sdelay $0x4  }
0x74: {  	v24 =	vshll.u32 v3, $0x1  }
0x75: {  	v3 =	vand.u32 $0x7, v3;
	v4 =	vand.u32 $0xFFFFFFF0, v24  }
0x76: {  	v3 =	vor.u32 v3, v4  }
0x77: {  	v4 =	vperm.xlane v3, v0;
	_ =	sdelay $0x1  }
0x78: {  	v3 =	vperm.xlane v3, v2;
	v4 =	vadd.s32 v1, v4;
	_ =	sdelay $0x1  }
0x79: {  	v3 =	vadd.s32 v1, v3;
	_ =	sdelay $0x1  }
0x7a: {  	s14 =	simm.s32 $0x8300  }
0x7b: {  	[tilespmem:s14], [sflag:$0x3] =	stream.indirect_vreg.gather [hbm4b:s4+s2], $0x80, v4, vm0, $0xb8;
	[tilespmem:$0xC300] =	vst v63  }
0x7c: {  	s15 =	simm.s32 $0x8B00  }
0x7d: {  	[tilespmem:s15], [sflag:$0x3] =	stream.indirect_vreg.gather [hbm4b:s4+s2], $0x80, v3, vm0, $0xb8;
	[tilespmem:$0xC300] =	vst v63  }
0x7e: {  	v3 =	vld [tilespmem:$0x90];
	_ =	sdelay $0x4  }
0x7f: {  	v25 =	vshll.u32 v3, $0x1  }
0x80: {  	v3 =	vand.u32 $0x7, v3;
	v4 =	vand.u32 $0xFFFFFFF0, v25  }
0x81: {  	v3 =	vor.u32 v3, v4  }
0x82: {  	v4 =	vperm.xlane v3, v0;
	_ =	sdelay $0x1  }
0x83: {  	v3 =	vperm.xlane v3, v2;
	v4 =	vadd.s32 v1, v4;
	_ =	sdelay $0x1  }
0x84: {  	v3 =	vadd.s32 v1, v3;
	_ =	sdelay $0x2  }
0x85: {  	[tilespmem:s25], [sflag:$0x4] =	stream.indirect_vreg.gather [hbm4b:s4+s2], $0x80, v4, vm0, $0xb8;
	[tilespmem:$0xC300] =	vst v63  }
0x86: {  	s16 =	simm.s32 $0x9B00  }
0x87: {  	[tilespmem:s16], [sflag:$0x4] =	stream.indirect_vreg.gather [hbm4b:s4+s2], $0x80, v3, vm0, $0xb8;
	[tilespmem:$0xC300] =	vst v63  }
0x88: {  	v3 =	vld [tilespmem:$0xA0];
	_ =	sdelay $0x4  }
0x89: {  	v26 =	vshll.u32 v3, $0x1  }
0x8a: {  	v3 =	vand.u32 $0x7, v3;
	v4 =	vand.u32 $0xFFFFFFF0, v26  }
0x8b: {  	v3 =	vor.u32 v3, v4  }
0x8c: {  	v4 =	vperm.xlane v3, v0;
	_ =	sdelay $0x1  }
0x8d: {  	v3 =	vperm.xlane v3, v2;
	v4 =	vadd.s32 v1, v4;
	_ =	sdelay $0x1  }
0x8e: {  	v3 =	vadd.s32 v1, v3;
	_ =	sdelay $0x1  }
0x8f: {  	s17 =	simm.s32 $0xA300  }
0x90: {  	[tilespmem:s17], [sflag:$0x4] =	stream.indirect_vreg.gather [hbm4b:s4+s2], $0x80, v4, vm0, $0xb8;
	[tilespmem:$0xC300] =	vst v63  }
0x91: {  	s23 =	simm.s32 $0xAB00  }
0x92: {  	[tilespmem:s23], [sflag:$0x4] =	stream.indirect_vreg.gather [hbm4b:s4+s2], $0x80, v3, vm0, $0xb8;
	[tilespmem:$0xC300] =	vst v63  }
0x93: {  	v3 =	vld [tilespmem:$0xB0];
	_ =	sdelay $0x4  }
0x94: {  	v27 =	vshll.u32 v3, $0x1  }
0x95: {  	v3 =	vand.u32 $0x7, v3;
	v4 =	vand.u32 $0xFFFFFFF0, v27  }
0x96: {  	v3 =	vor.u32 v3, v4  }
0x97: {  	v4 =	vperm.xlane v3, v0;
	_ =	sdelay $0x1  }
0x98: {  	v3 =	vperm.xlane v3, v2;
	v4 =	vadd.s32 v1, v4;
	_ =	sdelay $0x1  }
0x99: {  	v3 =	vadd.s32 v1, v3;
	_ =	sdelay $0x1  }
0x9a: {  	s24 =	simm.s32 $0xB300  }
0x9b: {  	[tilespmem:s24], [sflag:$0x4] =	stream.indirect_vreg.gather [hbm4b:s4+s2], $0x80, v4, vm0, $0xb8;
	[tilespmem:$0xC300] =	vst v63  }
0x9c: {  	s16 =	simm.s32 $0xBB00  }
0x9d: {  	[tilespmem:s16], [sflag:$0x4] =	stream.indirect_vreg.gather [hbm4b:s4+s2], $0x80, v3, vm0, $0xb8;
	[tilespmem:$0xC300] =	vst v63  }
0x9e: {  	_ =	swait.ge [sflag:s1], $0x3000  }
0x9f: {  	[sflag:s1] =	ssyncset.done $0x0  }
0xa0: {  	s17 =	rddreg [dreg:$0x12];
	[sflag:s1] =	ssyncadd.s32 $0xFFFFD000  }
0xa1: {  	[hbm4b:s17+s2] =	stream.linear.scatter [tilespmem:s18], [sflag:$0x5], $0x3000, $0x38;
	[tilespmem:$0xC300] =	vst v63  }
0xa2: {  	_ =	swait.ge [sflag:s0], $0x3000  }
0xa3: {  	[sflag:s0] =	ssyncset.done $0x0  }
0xa4: {  	[sflag:s0] =	ssyncadd.s32 $0xFFFFD000  }
0xa5: {  	v3 =	vld [tilespmem:$0xC0];
	_ =	sdelay $0x4  }
0xa6: {  	v28 =	vshll.u32 v3, $0x1  }
0xa7: {  	v3 =	vand.u32 $0x7, v3;
	v4 =	vand.u32 $0xFFFFFFF0, v28  }
0xa8: {  	v3 =	vor.u32 v3, v4  }
0xa9: {  	v4 =	vperm.xlane v3, v0;
	_ =	sdelay $0x1  }
0xaa: {  	v3 =	vperm.xlane v3, v2;
	v4 =	vadd.s32 v1, v4;
	_ =	sdelay $0x1  }
0xab: {  	v3 =	vadd.s32 v1, v3;
	_ =	sdelay $0x2  }
0xac: {  	[tilespmem:s18], [sflag:$0x1] =	stream.indirect_vreg.gather [hbm4b:s4+s2], $0x80, v4, vm0, $0xb8;
	[tilespmem:$0xC300] =	vst v63  }
0xad: {  	s23 =	simm.s32 $0xB00  }
0xae: {  	[tilespmem:s23], [sflag:$0x1] =	stream.indirect_vreg.gather [hbm4b:s4+s2], $0x80, v3, vm0, $0xb8;
	[tilespmem:$0xC300] =	vst v63  }
0xaf: {  	v3 =	vld [tilespmem:$0xD0];
	_ =	sdelay $0x4  }
0xb0: {  	v29 =	vshll.u32 v3, $0x1  }
0xb1: {  	v3 =	vand.u32 $0x7, v3;
	v4 =	vand.u32 $0xFFFFFFF0, v29  }
0xb2: {  	v3 =	vor.u32 v3, v4  }
0xb3: {  	v4 =	vperm.xlane v3, v0;
	_ =	sdelay $0x1  }
0xb4: {  	v3 =	vperm.xlane v3, v2;
	v4 =	vadd.s32 v1, v4;
	_ =	sdelay $0x1  }
0xb5: {  	v3 =	vadd.s32 v1, v3;
	_ =	sdelay $0x1  }
0xb6: {  	s21 =	simm.s32 $0x1300  }
0xb7: {  	[tilespmem:s21], [sflag:$0x1] =	stream.indirect_vreg.gather [hbm4b:s4+s2], $0x80, v4, vm0, $0xb8;
	[tilespmem:$0xC300] =	vst v63  }
0xb8: {  	s24 =	simm.s32 $0x1B00  }
0xb9: {  	[tilespmem:s24], [sflag:$0x1] =	stream.indirect_vreg.gather [hbm4b:s4+s2], $0x80, v3, vm0, $0xb8;
	[tilespmem:$0xC300] =	vst v63  }
0xba: {  	v3 =	vld [tilespmem:$0xE0];
	_ =	sdelay $0x4  }
0xbb: {  	v30 =	vshll.u32 v3, $0x1  }
0xbc: {  	v3 =	vand.u32 $0x7, v3;
	v4 =	vand.u32 $0xFFFFFFF0, v30  }
0xbd: {  	v3 =	vor.u32 v3, v4  }
0xbe: {  	v4 =	vperm.xlane v3, v0;
	_ =	sdelay $0x1  }
0xbf: {  	v3 =	vperm.xlane v3, v2;
	v4 =	vadd.s32 v1, v4;
	_ =	sdelay $0x1  }
0xc0: {  	v3 =	vadd.s32 v1, v3;
	_ =	sdelay $0x1  }
0xc1: {  	s31 =	simm.s32 $0x2300  }
0xc2: {  	[tilespmem:s31], [sflag:$0x1] =	stream.indirect_vreg.gather [hbm4b:s4+s2], $0x80, v4, vm0, $0xb8;
	[tilespmem:$0xC300] =	vst v63  }
0xc3: {  	s17 =	simm.s32 $0x2B00  }
0xc4: {  	[tilespmem:s17], [sflag:$0x1] =	stream.indirect_vreg.gather [hbm4b:s4+s2], $0x80, v3, vm0, $0xb8;
	[tilespmem:$0xC300] =	vst v63  }
0xc5: {  	_ =	swait.ge [sflag:s3], $0x3000  }
0xc6: {  	[sflag:s3] =	ssyncset.done $0x0  }
0xc7: {  	s21 =	rddreg [dreg:$0x3];
	[sflag:s3] =	ssyncadd.s32 $0xFFFFD000  }
0xc8: {  	[hbm4b:s21+s2] =	stream.linear.scatter [tilespmem:s13], [sflag:$0x6], $0x3000, $0x38;
	[tilespmem:$0xC300] =	vst v63  }
0xc9: {  	_ =	swait.ge [sflag:s6], $0x3000  }
0xca: {  	[sflag:s6] =	ssyncset.done $0x0  }
0xcb: {  	[sflag:s6] =	ssyncadd.s32 $0xFFFFD000  }
0xcc: {  	v3 =	vld [tilespmem:$0xF0];
	_ =	sdelay $0x4  }
0xcd: {  	v31 =	vshll.u32 v3, $0x1  }
0xce: {  	v3 =	vand.u32 $0x7, v3;
	v4 =	vand.u32 $0xFFFFFFF0, v31  }
0xcf: {  	v3 =	vor.u32 v3, v4  }
0xd0: {  	v4 =	vperm.xlane v3, v0;
	_ =	sdelay $0x1  }
0xd1: {  	v3 =	vperm.xlane v3, v2;
	v4 =	vadd.s32 v1, v4;
	_ =	sdelay $0x1  }
0xd2: {  	v3 =	vadd.s32 v1, v3;
	_ =	sdelay $0x2  }
0xd3: {  	[tilespmem:s13], [sflag:$0x2] =	stream.indirect_vreg.gather [hbm4b:s4+s2], $0x80, v4, vm0, $0xb8;
	[tilespmem:$0xC300] =	vst v63  }
0xd4: {  	s20 =	simm.s32 $0x3B00  }
0xd5: {  	[tilespmem:s20], [sflag:$0x2] =	stream.indirect_vreg.gather [hbm4b:s4+s2], $0x80, v3, vm0, $0xb8;
	[tilespmem:$0xC300] =	vst v63  }
0xd6: {  	v3 =	vld [tilespmem:$0x100];
	_ =	sdelay $0x4  }
0xd7: {  	v32 =	vshll.u32 v3, $0x1  }
0xd8: {  	v3 =	vand.u32 $0x7, v3;
	v4 =	vand.u32 $0xFFFFFFF0, v32  }
0xd9: {  	v3 =	vor.u32 v3, v4  }
0xda: {  	v4 =	vperm.xlane v3, v0;
	_ =	sdelay $0x1  }
0xdb: {  	v3 =	vperm.xlane v3, v2;
	v4 =	vadd.s32 v1, v4;
	_ =	sdelay $0x1  }
0xdc: {  	v3 =	vadd.s32 v1, v3;
	_ =	sdelay $0x1  }
0xdd: {  	s31 =	simm.s32 $0x4300  }
0xde: {  	[tilespmem:s31], [sflag:$0x2] =	stream.indirect_vreg.gather [hbm4b:s4+s2], $0x80, v4, vm0, $0xb8;
	[tilespmem:$0xC300] =	vst v63  }
0xdf: {  	s21 =	simm.s32 $0x4B00  }
0xe0: {  	[tilespmem:s21], [sflag:$0x2] =	stream.indirect_vreg.gather [hbm4b:s4+s2], $0x80, v3, vm0, $0xb8;
	[tilespmem:$0xC300] =	vst v63  }
0xe1: {  	v3 =	vld [tilespmem:$0x110];
	_ =	sdelay $0x4  }
0xe2: {  	v33 =	vshll.u32 v3, $0x1  }
0xe3: {  	v3 =	vand.u32 $0x7, v3;
	v4 =	vand.u32 $0xFFFFFFF0, v33  }
0xe4: {  	v3 =	vor.u32 v3, v4  }
0xe5: {  	v4 =	vperm.xlane v3, v0;
	_ =	sdelay $0x1  }
0xe6: {  	v3 =	vperm.xlane v3, v2;
	v4 =	vadd.s32 v1, v4;
	_ =	sdelay $0x1  }
0xe7: {  	v3 =	vadd.s32 v1, v3;
	_ =	sdelay $0x1  }
0xe8: {  	s20 =	simm.s32 $0x5300  }
0xe9: {  	[tilespmem:s20], [sflag:$0x2] =	stream.indirect_vreg.gather [hbm4b:s4+s2], $0x80, v4, vm0, $0xb8;
	[tilespmem:$0xC300] =	vst v63  }
0xea: {  	s22 =	simm.s32 $0x5B00  }
0xeb: {  	[tilespmem:s22], [sflag:$0x2] =	stream.indirect_vreg.gather [hbm4b:s4+s2], $0x80, v3, vm0, $0xb8;
	[tilespmem:$0xC300] =	vst v63  }
0xec: {  	_ =	swait.ge [sflag:s8], $0x3000  }
0xed: {  	[sflag:s8] =	ssyncset.done $0x0  }
0xee: {  	s22 =	rddreg [dreg:$0x4];
	[sflag:s8] =	ssyncadd.s32 $0xFFFFD000  }
0xef: {  	[hbm4b:s22+s2] =	stream.linear.scatter [tilespmem:s19], [sflag:$0x7], $0x3000, $0x38;
	[tilespmem:$0xC300] =	vst v63  }
0xf0: {  	_ =	swait.ge [sflag:s9], $0x3000  }
0xf1: {  	[sflag:s9] =	ssyncset.done $0x0  }
0xf2: {  	[sflag:s9] =	ssyncadd.s32 $0xFFFFD000  }
0xf3: {  	v3 =	vld [tilespmem:$0x120];
	_ =	sdelay $0x4  }
0xf4: {  	v34 =	vshll.u32 v3, $0x1  }
0xf5: {  	v3 =	vand.u32 $0x7, v3;
	v4 =	vand.u32 $0xFFFFFFF0, v34  }
0xf6: {  	v3 =	vor.u32 v3, v4  }
0xf7: {  	v4 =	vperm.xlane v3, v0;
	_ =	sdelay $0x1  }
0xf8: {  	v3 =	vperm.xlane v3, v2;
	v4 =	vadd.s32 v1, v4;
	_ =	sdelay $0x1  }
0xf9: {  	v3 =	vadd.s32 v1, v3;
	_ =	sdelay $0x2  }
0xfa: {  	[tilespmem:s19], [sflag:$0x3] =	stream.indirect_vreg.gather [hbm4b:s4+s2], $0x80, v4, vm0, $0xb8;
	[tilespmem:$0xC300] =	vst v63  }
0xfb: {  	s28 =	simm.s32 $0x6B00  }
0xfc: {  	[tilespmem:s28], [sflag:$0x3] =	stream.indirect_vreg.gather [hbm4b:s4+s2], $0x80, v3, vm0, $0xb8;
	[tilespmem:$0xC300] =	vst v63  }
0xfd: {  	v3 =	vld [tilespmem:$0x130];
	_ =	sdelay $0x4  }
0xfe: {  	v35 =	vshll.u32 v3, $0x1  }
0xff: {  	v3 =	vand.u32 $0x7, v3;
	v4 =	vand.u32 $0xFFFFFFF0, v35  }
0x100: {  	v3 =	vor.u32 v3, v4  }
0x101: {  	v4 =	vperm.xlane v3, v0;
	_ =	sdelay $0x1  }
0x102: {  	v3 =	vperm.xlane v3, v2;
	v4 =	vadd.s32 v1, v4;
	_ =	sdelay $0x1  }
0x103: {  	v3 =	vadd.s32 v1, v3;
	_ =	sdelay $0x1  }
0x104: {  	s7 =	simm.s32 $0x7300  }
0x105: {  	[tilespmem:s7], [sflag:$0x3] =	stream.indirect_vreg.gather [hbm4b:s4+s2], $0x80, v4, vm0, $0xb8;
	[tilespmem:$0xC300] =	vst v63  }
0x106: {  	s29 =	simm.s32 $0x7B00  }
0x107: {  	[tilespmem:s29], [sflag:$0x3] =	stream.indirect_vreg.gather [hbm4b:s4+s2], $0x80, v3, vm0, $0xb8;
	[tilespmem:$0xC300] =	vst v63  }
0x108: {  	v3 =	vld [tilespmem:$0x140];
	_ =	sdelay $0x4  }
0x109: {  	v36 =	vshll.u32 v3, $0x1  }
0x10a: {  	v3 =	vand.u32 $0x7, v3;
	v4 =	vand.u32 $0xFFFFFFF0, v36  }
0x10b: {  	v3 =	vor.u32 v3, v4  }
0x10c: {  	v4 =	vperm.xlane v3, v0;
	_ =	sdelay $0x1  }
0x10d: {  	v3 =	vperm.xlane v3, v2;
	v4 =	vadd.s32 v1, v4;
	_ =	sdelay $0x1  }
0x10e: {  	v3 =	vadd.s32 v1, v3;
	_ =	sdelay $0x1  }
0x10f: {  	s26 =	simm.s32 $0x8300  }
0x110: {  	[tilespmem:s26], [sflag:$0x3] =	stream.indirect_vreg.gather [hbm4b:s4+s2], $0x80, v4, vm0, $0xb8;
	[tilespmem:$0xC300] =	vst v63  }
0x111: {  	s30 =	simm.s32 $0x8B00  }
0x112: {  	[tilespmem:s30], [sflag:$0x3] =	stream.indirect_vreg.gather [hbm4b:s4+s2], $0x80, v3, vm0, $0xb8;
	[tilespmem:$0xC300] =	vst v63  }
0x113: {  	_ =	swait.ge [sflag:s10], $0x3000  }
0x114: {  	[sflag:s10] =	ssyncset.done $0x0  }
0x115: {  	s7 =	rddreg [dreg:$0x5];
	[sflag:s10] =	ssyncadd.s32 $0xFFFFD000  }
0x116: {  	[hbm4b:s7+s2] =	stream.linear.scatter [tilespmem:s25], [sflag:$0x8], $0x3000, $0x38;
	[tilespmem:$0xC300] =	vst v63  }
0x117: {  	_ =	swait.ge [sflag:s11], $0x3000  }
0x118: {  	[sflag:s11] =	ssyncset.done $0x0  }
0x119: {  	[sflag:s11] =	ssyncadd.s32 $0xFFFFD000  }
0x11a: {  	v3 =	vld [tilespmem:$0x150];
	_ =	sdelay $0x4  }
0x11b: {  	v37 =	vshll.u32 v3, $0x1  }
0x11c: {  	v3 =	vand.u32 $0x7, v3;
	v4 =	vand.u32 $0xFFFFFFF0, v37  }
0x11d: {  	v3 =	vor.u32 v3, v4  }
0x11e: {  	v4 =	vperm.xlane v3, v0;
	_ =	sdelay $0x1  }
0x11f: {  	v3 =	vperm.xlane v3, v2;
	v4 =	vadd.s32 v1, v4;
	_ =	sdelay $0x1  }
0x120: {  	v3 =	vadd.s32 v1, v3;
	_ =	sdelay $0x2  }
0x121: {  	[tilespmem:s25], [sflag:$0x4] =	stream.indirect_vreg.gather [hbm4b:s4+s2], $0x80, v4, vm0, $0xb8;
	[tilespmem:$0xC300] =	vst v63  }
0x122: {  	s14 =	simm.s32 $0x9B00  }
0x123: {  	[tilespmem:s14], [sflag:$0x4] =	stream.indirect_vreg.gather [hbm4b:s4+s2], $0x80, v3, vm0, $0xb8;
	[tilespmem:$0xC300] =	vst v63  }
0x124: {  	v3 =	vld [tilespmem:$0x160];
	_ =	sdelay $0x4  }
0x125: {  	v38 =	vshll.u32 v3, $0x1  }
0x126: {  	v3 =	vand.u32 $0x7, v3;
	v4 =	vand.u32 $0xFFFFFFF0, v38  }
0x127: {  	v3 =	vor.u32 v3, v4  }
0x128: {  	v4 =	vperm.xlane v3, v0;
	_ =	sdelay $0x1  }
0x129: {  	v3 =	vperm.xlane v3, v2;
	v4 =	vadd.s32 v1, v4;
	_ =	sdelay $0x1  }
0x12a: {  	v3 =	vadd.s32 v1, v3;
	_ =	sdelay $0x1  }
0x12b: {  	s14 =	simm.s32 $0xA300  }
0x12c: {  	[tilespmem:s14], [sflag:$0x4] =	stream.indirect_vreg.gather [hbm4b:s4+s2], $0x80, v4, vm0, $0xb8;
	[tilespmem:$0xC300] =	vst v63  }
0x12d: {  	s15 =	simm.s32 $0xAB00  }
0x12e: {  	[tilespmem:s15], [sflag:$0x4] =	stream.indirect_vreg.gather [hbm4b:s4+s2], $0x80, v3, vm0, $0xb8;
	[tilespmem:$0xC300] =	vst v63  }
0x12f: {  	v3 =	vld [tilespmem:$0x170];
	_ =	sdelay $0x4  }
0x130: {  	v39 =	vshll.u32 v3, $0x1  }
0x131: {  	v3 =	vand.u32 $0x7, v3;
	v4 =	vand.u32 $0xFFFFFFF0, v39  }
0x132: {  	v3 =	vor.u32 v3, v4  }
0x133: {  	v4 =	vperm.xlane v3, v0;
	_ =	sdelay $0x1  }
0x134: {  	v3 =	vperm.xlane v3, v2;
	v4 =	vadd.s32 v1, v4;
	_ =	sdelay $0x1  }
0x135: {  	v3 =	vadd.s32 v1, v3;
	_ =	sdelay $0x1  }
0x136: {  	s15 =	simm.s32 $0xB300  }
0x137: {  	[tilespmem:s15], [sflag:$0x4] =	stream.indirect_vreg.gather [hbm4b:s4+s2], $0x80, v4, vm0, $0xb8;
	[tilespmem:$0xC300] =	vst v63  }
0x138: {  	s16 =	simm.s32 $0xBB00  }
0x139: {  	[tilespmem:s16], [sflag:$0x4] =	stream.indirect_vreg.gather [hbm4b:s4+s2], $0x80, v3, vm0, $0xb8;
	[tilespmem:$0xC300] =	vst v63  }
0x13a: {  	_ =	swait.ge [sflag:s1], $0x3000  }
0x13b: {  	[sflag:s1] =	ssyncset.done $0x0  }
0x13c: {  	s22 =	rddreg [dreg:$0x6];
	[sflag:s1] =	ssyncadd.s32 $0xFFFFD000  }
0x13d: {  	[hbm4b:s22+s2] =	stream.linear.scatter [tilespmem:s18], [sflag:$0x5], $0x3000, $0x38;
	[tilespmem:$0xC300] =	vst v63  }
0x13e: {  	_ =	swait.ge [sflag:s0], $0x3000  }
0x13f: {  	[sflag:s0] =	ssyncset.done $0x0  }
0x140: {  	[sflag:s0] =	ssyncadd.s32 $0xFFFFD000  }
0x141: {  	v3 =	vld [tilespmem:$0x180];
	_ =	sdelay $0x4  }
0x142: {  	v40 =	vshll.u32 v3, $0x1  }
0x143: {  	v3 =	vand.u32 $0x7, v3;
	v4 =	vand.u32 $0xFFFFFFF0, v40  }
0x144: {  	v3 =	vor.u32 v3, v4  }
0x145: {  	v4 =	vperm.xlane v3, v0;
	_ =	sdelay $0x1  }
0x146: {  	v3 =	vperm.xlane v3, v2;
	v4 =	vadd.s32 v1, v4;
	_ =	sdelay $0x1  }
0x147: {  	v3 =	vadd.s32 v1, v3;
	_ =	sdelay $0x2  }
0x148: {  	[tilespmem:s18], [sflag:$0x1] =	stream.indirect_vreg.gather [hbm4b:s4+s2], $0x80, v4, vm0, $0xb8;
	[tilespmem:$0xC300] =	vst v63  }
0x149: {  	_ = 	snop  }
0x14a: {  	[tilespmem:s23], [sflag:$0x1] =	stream.indirect_vreg.gather [hbm4b:s4+s2], $0x80, v3, vm0, $0xb8;
	[tilespmem:$0xC300] =	vst v63  }
0x14b: {  	v3 =	vld [tilespmem:$0x190];
	_ =	sdelay $0x4  }
0x14c: {  	v41 =	vshll.u32 v3, $0x1  }
0x14d: {  	v3 =	vand.u32 $0x7, v3;
	v4 =	vand.u32 $0xFFFFFFF0, v41  }
0x14e: {  	v3 =	vor.u32 v3, v4  }
0x14f: {  	v4 =	vperm.xlane v3, v0;
	_ =	sdelay $0x1  }
0x150: {  	v3 =	vperm.xlane v3, v2;
	v4 =	vadd.s32 v1, v4;
	_ =	sdelay $0x1  }
0x151: {  	v3 =	vadd.s32 v1, v3;
	_ =	sdelay $0x1  }
0x152: {  	s23 =	simm.s32 $0x1300  }
0x153: {  	[tilespmem:s23], [sflag:$0x1] =	stream.indirect_vreg.gather [hbm4b:s4+s2], $0x80, v4, vm0, $0xb8;
	[tilespmem:$0xC300] =	vst v63  }
0x154: {  	_ = 	snop  }
0x155: {  	[tilespmem:s24], [sflag:$0x1] =	stream.indirect_vreg.gather [hbm4b:s4+s2], $0x80, v3, vm0, $0xb8;
	[tilespmem:$0xC300] =	vst v63  }
0x156: {  	v3 =	vld [tilespmem:$0x1A0];
	_ =	sdelay $0x4  }
0x157: {  	v42 =	vshll.u32 v3, $0x1  }
0x158: {  	v3 =	vand.u32 $0x7, v3;
	v4 =	vand.u32 $0xFFFFFFF0, v42  }
0x159: {  	v3 =	vor.u32 v3, v4  }
0x15a: {  	v4 =	vperm.xlane v3, v0;
	_ =	sdelay $0x1  }
0x15b: {  	v3 =	vperm.xlane v3, v2;
	v4 =	vadd.s32 v1, v4;
	_ =	sdelay $0x1  }
0x15c: {  	v3 =	vadd.s32 v1, v3;
	_ =	sdelay $0x1  }
0x15d: {  	s14 =	simm.s32 $0x2300  }
0x15e: {  	[tilespmem:s14], [sflag:$0x1] =	stream.indirect_vreg.gather [hbm4b:s4+s2], $0x80, v4, vm0, $0xb8;
	[tilespmem:$0xC300] =	vst v63  }
0x15f: {  	_ = 	snop  }
0x160: {  	[tilespmem:s17], [sflag:$0x1] =	stream.indirect_vreg.gather [hbm4b:s4+s2], $0x80, v3, vm0, $0xb8;
	[tilespmem:$0xC300] =	vst v63  }
0x161: {  	_ =	swait.ge [sflag:s3], $0x3000  }
0x162: {  	[sflag:s3] =	ssyncset.done $0x0  }
0x163: {  	s16 =	rddreg [dreg:$0x7];
	[sflag:s3] =	ssyncadd.s32 $0xFFFFD000  }
0x164: {  	[hbm4b:s16+s2] =	stream.linear.scatter [tilespmem:s13], [sflag:$0x6], $0x3000, $0x38;
	[tilespmem:$0xC300] =	vst v63  }
0x165: {  	_ =	swait.ge [sflag:s6], $0x3000  }
0x166: {  	[sflag:s6] =	ssyncset.done $0x0  }
0x167: {  	[sflag:s6] =	ssyncadd.s32 $0xFFFFD000  }
0x168: {  	v3 =	vld [tilespmem:$0x1B0];
	_ =	sdelay $0x4  }
0x169: {  	v43 =	vshll.u32 v3, $0x1  }
0x16a: {  	v3 =	vand.u32 $0x7, v3;
	v4 =	vand.u32 $0xFFFFFFF0, v43  }
0x16b: {  	v3 =	vor.u32 v3, v4  }
0x16c: {  	v4 =	vperm.xlane v3, v0;
	_ =	sdelay $0x1  }
0x16d: {  	v3 =	vperm.xlane v3, v2;
	v4 =	vadd.s32 v1, v4;
	_ =	sdelay $0x1  }
0x16e: {  	v3 =	vadd.s32 v1, v3;
	_ =	sdelay $0x2  }
0x16f: {  	[tilespmem:s13], [sflag:$0x2] =	stream.indirect_vreg.gather [hbm4b:s4+s2], $0x80, v4, vm0, $0xb8;
	[tilespmem:$0xC300] =	vst v63  }
0x170: {  	s17 =	simm.s32 $0x3B00  }
0x171: {  	[tilespmem:s17], [sflag:$0x2] =	stream.indirect_vreg.gather [hbm4b:s4+s2], $0x80, v3, vm0, $0xb8;
	[tilespmem:$0xC300] =	vst v63  }
0x172: {  	v3 =	vld [tilespmem:$0x1C0];
	_ =	sdelay $0x4  }
0x173: {  	v44 =	vshll.u32 v3, $0x1  }
0x174: {  	v3 =	vand.u32 $0x7, v3;
	v4 =	vand.u32 $0xFFFFFFF0, v44  }
0x175: {  	v3 =	vor.u32 v3, v4  }
0x176: {  	v4 =	vperm.xlane v3, v0;
	_ =	sdelay $0x1  }
0x177: {  	v3 =	vperm.xlane v3, v2;
	v4 =	vadd.s32 v1, v4;
	_ =	sdelay $0x1  }
0x178: {  	v3 =	vadd.s32 v1, v3;
	_ =	sdelay $0x2  }
0x179: {  	[tilespmem:s31], [sflag:$0x2] =	stream.indirect_vreg.gather [hbm4b:s4+s2], $0x80, v4, vm0, $0xb8;
	[tilespmem:$0xC300] =	vst v63  }
0x17a: {  	_ = 	snop  }
0x17b: {  	[tilespmem:s21], [sflag:$0x2] =	stream.indirect_vreg.gather [hbm4b:s4+s2], $0x80, v3, vm0, $0xb8;
	[tilespmem:$0xC300] =	vst v63  }
0x17c: {  	v3 =	vld [tilespmem:$0x1D0];
	_ =	sdelay $0x4  }
0x17d: {  	v45 =	vshll.u32 v3, $0x1  }
0x17e: {  	v3 =	vand.u32 $0x7, v3;
	v4 =	vand.u32 $0xFFFFFFF0, v45  }
0x17f: {  	v3 =	vor.u32 v3, v4  }
0x180: {  	v4 =	vperm.xlane v3, v0;
	_ =	sdelay $0x1  }
0x181: {  	v3 =	vperm.xlane v3, v2;
	v4 =	vadd.s32 v1, v4;
	_ =	sdelay $0x1  }
0x182: {  	v3 =	vadd.s32 v1, v3;
	_ =	sdelay $0x2  }
0x183: {  	[tilespmem:s20], [sflag:$0x2] =	stream.indirect_vreg.gather [hbm4b:s4+s2], $0x80, v4, vm0, $0xb8;
	[tilespmem:$0xC300] =	vst v63  }
0x184: {  	s21 =	simm.s32 $0x5B00  }
0x185: {  	[tilespmem:s21], [sflag:$0x2] =	stream.indirect_vreg.gather [hbm4b:s4+s2], $0x80, v3, vm0, $0xb8;
	[tilespmem:$0xC300] =	vst v63  }
0x186: {  	_ =	swait.ge [sflag:s8], $0x3000  }
0x187: {  	[sflag:s8] =	ssyncset.done $0x0  }
0x188: {  	s31 =	rddreg [dreg:$0x8];
	[sflag:s8] =	ssyncadd.s32 $0xFFFFD000  }
0x189: {  	[hbm4b:s31+s2] =	stream.linear.scatter [tilespmem:s19], [sflag:$0x7], $0x3000, $0x38;
	[tilespmem:$0xC300] =	vst v63  }
0x18a: {  	_ =	swait.ge [sflag:s9], $0x3000  }
0x18b: {  	[sflag:s9] =	ssyncset.done $0x0  }
0x18c: {  	[sflag:s9] =	ssyncadd.s32 $0xFFFFD000  }
0x18d: {  	v3 =	vld [tilespmem:$0x1E0];
	_ =	sdelay $0x4  }
0x18e: {  	v46 =	vshll.u32 v3, $0x1  }
0x18f: {  	v3 =	vand.u32 $0x7, v3;
	v4 =	vand.u32 $0xFFFFFFF0, v46  }
0x190: {  	v3 =	vor.u32 v3, v4  }
0x191: {  	v4 =	vperm.xlane v3, v0;
	_ =	sdelay $0x1  }
0x192: {  	v3 =	vperm.xlane v3, v2;
	v4 =	vadd.s32 v1, v4;
	_ =	sdelay $0x1  }
0x193: {  	v3 =	vadd.s32 v1, v3;
	_ =	sdelay $0x2  }
0x194: {  	[tilespmem:s19], [sflag:$0x3] =	stream.indirect_vreg.gather [hbm4b:s4+s2], $0x80, v4, vm0, $0xb8;
	[tilespmem:$0xC300] =	vst v63  }
0x195: {  	s14 =	simm.s32 $0x6B00  }
0x196: {  	[tilespmem:s14], [sflag:$0x3] =	stream.indirect_vreg.gather [hbm4b:s4+s2], $0x80, v3, vm0, $0xb8;
	[tilespmem:$0xC300] =	vst v63  }
0x197: {  	v3 =	vld [tilespmem:$0x1F0];
	_ =	sdelay $0x4  }
0x198: {  	v47 =	vshll.u32 v3, $0x1  }
0x199: {  	v3 =	vand.u32 $0x7, v3;
	v4 =	vand.u32 $0xFFFFFFF0, v47  }
0x19a: {  	v3 =	vor.u32 v3, v4  }
0x19b: {  	v4 =	vperm.xlane v3, v0;
	_ =	sdelay $0x1  }
0x19c: {  	v3 =	vperm.xlane v3, v2;
	v4 =	vadd.s32 v1, v4;
	_ =	sdelay $0x1  }
0x19d: {  	v3 =	vadd.s32 v1, v3;
	_ =	sdelay $0x1  }
0x19e: {  	s28 =	simm.s32 $0x7300  }
0x19f: {  	[tilespmem:s28], [sflag:$0x3] =	stream.indirect_vreg.gather [hbm4b:s4+s2], $0x80, v4, vm0, $0xb8;
	[tilespmem:$0xC300] =	vst v63  }
0x1a0: {  	s21 =	simm.s32 $0x7B00  }
0x1a1: {  	[tilespmem:s21], [sflag:$0x3] =	stream.indirect_vreg.gather [hbm4b:s4+s2], $0x80, v3, vm0, $0xb8;
	[tilespmem:$0xC300] =	vst v63  }
0x1a2: {  	v3 =	vld [tilespmem:$0x200];
	_ =	sdelay $0x4  }
0x1a3: {  	v48 =	vshll.u32 v3, $0x1  }
0x1a4: {  	v3 =	vand.u32 $0x7, v3;
	v4 =	vand.u32 $0xFFFFFFF0, v48  }
0x1a5: {  	v3 =	vor.u32 v3, v4  }
0x1a6: {  	v4 =	vperm.xlane v3, v0;
	_ =	sdelay $0x1  }
0x1a7: {  	v3 =	vperm.xlane v3, v2;
	v4 =	vadd.s32 v1, v4;
	_ =	sdelay $0x1  }
0x1a8: {  	v3 =	vadd.s32 v1, v3;
	_ =	sdelay $0x1  }
0x1a9: {  	s26 =	simm.s32 $0x8300  }
0x1aa: {  	[tilespmem:s26], [sflag:$0x3] =	stream.indirect_vreg.gather [hbm4b:s4+s2], $0x80, v4, vm0, $0xb8;
	[tilespmem:$0xC300] =	vst v63  }
0x1ab: {  	s26 =	simm.s32 $0x8B00  }
0x1ac: {  	[tilespmem:s26], [sflag:$0x3] =	stream.indirect_vreg.gather [hbm4b:s4+s2], $0x80, v3, vm0, $0xb8;
	[tilespmem:$0xC300] =	vst v63  }
0x1ad: {  	_ =	swait.ge [sflag:s10], $0x3000  }
0x1ae: {  	[sflag:s10] =	ssyncset.done $0x0  }
0x1af: {  	s21 =	rddreg [dreg:$0x9];
	[sflag:s10] =	ssyncadd.s32 $0xFFFFD000  }
0x1b0: {  	[hbm4b:s21+s2] =	stream.linear.scatter [tilespmem:s25], [sflag:$0x8], $0x3000, $0x38;
	[tilespmem:$0xC300] =	vst v63  }
0x1b1: {  	_ =	swait.ge [sflag:s11], $0x3000  }
0x1b2: {  	[sflag:s11] =	ssyncset.done $0x0  }
0x1b3: {  	[sflag:s11] =	ssyncadd.s32 $0xFFFFD000  }
0x1b4: {  	v3 =	vld [tilespmem:$0x210];
	_ =	sdelay $0x4  }
0x1b5: {  	v49 =	vshll.u32 v3, $0x1  }
0x1b6: {  	v3 =	vand.u32 $0x7, v3;
	v4 =	vand.u32 $0xFFFFFFF0, v49  }
0x1b7: {  	v3 =	vor.u32 v3, v4  }
0x1b8: {  	v4 =	vperm.xlane v3, v0;
	_ =	sdelay $0x1  }
0x1b9: {  	v3 =	vperm.xlane v3, v2;
	v4 =	vadd.s32 v1, v4;
	_ =	sdelay $0x1  }
0x1ba: {  	v3 =	vadd.s32 v1, v3;
	_ =	sdelay $0x2  }
0x1bb: {  	[tilespmem:s25], [sflag:$0x4] =	stream.indirect_vreg.gather [hbm4b:s4+s2], $0x80, v4, vm0, $0xb8;
	[tilespmem:$0xC300] =	vst v63  }
0x1bc: {  	s26 =	simm.s32 $0x9B00  }
0x1bd: {  	[tilespmem:s26], [sflag:$0x4] =	stream.indirect_vreg.gather [hbm4b:s4+s2], $0x80, v3, vm0, $0xb8;
	[tilespmem:$0xC300] =	vst v63  }
0x1be: {  	v3 =	vld [tilespmem:$0x220];
	_ =	sdelay $0x4  }
0x1bf: {  	v50 =	vshll.u32 v3, $0x1  }
0x1c0: {  	v3 =	vand.u32 $0x7, v3;
	v4 =	vand.u32 $0xFFFFFFF0, v50  }
0x1c1: {  	v3 =	vor.u32 v3, v4  }
0x1c2: {  	v4 =	vperm.xlane v3, v0;
	_ =	sdelay $0x1  }
0x1c3: {  	v3 =	vperm.xlane v3, v2;
	v4 =	vadd.s32 v1, v4;
	_ =	sdelay $0x1  }
0x1c4: {  	v3 =	vadd.s32 v1, v3;
	_ =	sdelay $0x1  }
0x1c5: {  	s30 =	simm.s32 $0xA300  }
0x1c6: {  	[tilespmem:s30], [sflag:$0x4] =	stream.indirect_vreg.gather [hbm4b:s4+s2], $0x80, v4, vm0, $0xb8;
	[tilespmem:$0xC300] =	vst v63  }
0x1c7: {  	s7 =	simm.s32 $0xAB00  }
0x1c8: {  	[tilespmem:s7], [sflag:$0x4] =	stream.indirect_vreg.gather [hbm4b:s4+s2], $0x80, v3, vm0, $0xb8;
	[tilespmem:$0xC300] =	vst v63  }
0x1c9: {  	v3 =	vld [tilespmem:$0x230];
	_ =	sdelay $0x4  }
0x1ca: {  	v51 =	vshll.u32 v3, $0x1  }
0x1cb: {  	v3 =	vand.u32 $0x7, v3;
	v4 =	vand.u32 $0xFFFFFFF0, v51  }
0x1cc: {  	v3 =	vor.u32 v3, v4  }
0x1cd: {  	v4 =	vperm.xlane v3, v0;
	_ =	sdelay $0x1  }
0x1ce: {  	v3 =	vperm.xlane v3, v2;
	v4 =	vadd.s32 v1, v4;
	_ =	sdelay $0x1  }
0x1cf: {  	v3 =	vadd.s32 v1, v3;
	_ =	sdelay $0x1  }
0x1d0: {  	s15 =	simm.s32 $0xB300  }
0x1d1: {  	[tilespmem:s15], [sflag:$0x4] =	stream.indirect_vreg.gather [hbm4b:s4+s2], $0x80, v4, vm0, $0xb8;
	[tilespmem:$0xC300] =	vst v63  }
0x1d2: {  	s29 =	simm.s32 $0xBB00  }
0x1d3: {  	[tilespmem:s29], [sflag:$0x4] =	stream.indirect_vreg.gather [hbm4b:s4+s2], $0x80, v3, vm0, $0xb8;
	[tilespmem:$0xC300] =	vst v63  }
0x1d4: {  	_ =	swait.ge [sflag:s1], $0x3000  }
0x1d5: {  	[sflag:s1] =	ssyncset.done $0x0  }
0x1d6: {  	s30 =	rddreg [dreg:$0xa];
	[sflag:s1] =	ssyncadd.s32 $0xFFFFD000  }
0x1d7: {  	[hbm4b:s30+s2] =	stream.linear.scatter [tilespmem:s18], [sflag:$0x5], $0x3000, $0x38;
	[tilespmem:$0xC300] =	vst v63  }
0x1d8: {  	_ =	swait.ge [sflag:s0], $0x3000  }
0x1d9: {  	[sflag:s0] =	ssyncset.done $0x0  }
0x1da: {  	[sflag:s0] =	ssyncadd.s32 $0xFFFFD000  }
0x1db: {  	v3 =	vld [tilespmem:$0x240];
	_ =	sdelay $0x4  }
0x1dc: {  	v52 =	vshll.u32 v3, $0x1  }
0x1dd: {  	v3 =	vand.u32 $0x7, v3;
	v4 =	vand.u32 $0xFFFFFFF0, v52  }
0x1de: {  	v3 =	vor.u32 v3, v4  }
0x1df: {  	v4 =	vperm.xlane v3, v0;
	_ =	sdelay $0x1  }
0x1e0: {  	v3 =	vperm.xlane v3, v2;
	v4 =	vadd.s32 v1, v4;
	_ =	sdelay $0x1  }
0x1e1: {  	v3 =	vadd.s32 v1, v3;
	_ =	sdelay $0x2  }
0x1e2: {  	[tilespmem:s18], [sflag:$0x1] =	stream.indirect_vreg.gather [hbm4b:s4+s2], $0x80, v4, vm0, $0xb8;
	[tilespmem:$0xC300] =	vst v63  }
0x1e3: {  	s22 =	simm.s32 $0xB00  }
0x1e4: {  	[tilespmem:s22], [sflag:$0x1] =	stream.indirect_vreg.gather [hbm4b:s4+s2], $0x80, v3, vm0, $0xb8;
	[tilespmem:$0xC300] =	vst v63  }
0x1e5: {  	v3 =	vld [tilespmem:$0x250];
	_ =	sdelay $0x4  }
0x1e6: {  	v53 =	vshll.u32 v3, $0x1  }
0x1e7: {  	v3 =	vand.u32 $0x7, v3;
	v4 =	vand.u32 $0xFFFFFFF0, v53  }
0x1e8: {  	v3 =	vor.u32 v3, v4  }
0x1e9: {  	v4 =	vperm.xlane v3, v0;
	_ =	sdelay $0x1  }
0x1ea: {  	v3 =	vperm.xlane v3, v2;
	v4 =	vadd.s32 v1, v4;
	_ =	sdelay $0x1  }
0x1eb: {  	v3 =	vadd.s32 v1, v3;
	_ =	sdelay $0x1  }
0x1ec: {  	s22 =	simm.s32 $0x1300  }
0x1ed: {  	[tilespmem:s22], [sflag:$0x1] =	stream.indirect_vreg.gather [hbm4b:s4+s2], $0x80, v4, vm0, $0xb8;
	[tilespmem:$0xC300] =	vst v63  }
0x1ee: {  	s23 =	simm.s32 $0x1B00  }
0x1ef: {  	[tilespmem:s23], [sflag:$0x1] =	stream.indirect_vreg.gather [hbm4b:s4+s2], $0x80, v3, vm0, $0xb8;
	[tilespmem:$0xC300] =	vst v63  }
0x1f0: {  	v3 =	vld [tilespmem:$0x260];
	_ =	sdelay $0x4  }
0x1f1: {  	v54 =	vshll.u32 v3, $0x1  }
0x1f2: {  	v3 =	vand.u32 $0x7, v3;
	v4 =	vand.u32 $0xFFFFFFF0, v54  }
0x1f3: {  	v3 =	vor.u32 v3, v4  }
0x1f4: {  	v4 =	vperm.xlane v3, v0;
	_ =	sdelay $0x1  }
0x1f5: {  	v3 =	vperm.xlane v3, v2;
	v4 =	vadd.s32 v1, v4;
	_ =	sdelay $0x1  }
0x1f6: {  	v3 =	vadd.s32 v1, v3;
	_ =	sdelay $0x1  }
0x1f7: {  	s23 =	simm.s32 $0x2300  }
0x1f8: {  	[tilespmem:s23], [sflag:$0x1] =	stream.indirect_vreg.gather [hbm4b:s4+s2], $0x80, v4, vm0, $0xb8;
	[tilespmem:$0xC300] =	vst v63  }
0x1f9: {  	s24 =	simm.s32 $0x2B00  }
0x1fa: {  	[tilespmem:s24], [sflag:$0x1] =	stream.indirect_vreg.gather [hbm4b:s4+s2], $0x80, v3, vm0, $0xb8;
	[tilespmem:$0xC300] =	vst v63  }
0x1fb: {  	_ =	swait.ge [sflag:s3], $0x3000  }
0x1fc: {  	[sflag:s3] =	ssyncset.done $0x0  }
0x1fd: {  	s29 =	rddreg [dreg:$0xb];
	[sflag:s3] =	ssyncadd.s32 $0xFFFFD000  }
0x1fe: {  	[hbm4b:s29+s2] =	stream.linear.scatter [tilespmem:s13], [sflag:$0x6], $0x3000, $0x38;
	[tilespmem:$0xC300] =	vst v63  }
0x1ff: {  	_ =	swait.ge [sflag:s6], $0x3000  }
0x200: {  	[sflag:s6] =	ssyncset.done $0x0  }
0x201: {  	[sflag:s6] =	ssyncadd.s32 $0xFFFFD000  }
0x202: {  	v3 =	vld [tilespmem:$0x270];
	_ =	sdelay $0x4  }
0x203: {  	v55 =	vshll.u32 v3, $0x1  }
0x204: {  	v3 =	vand.u32 $0x7, v3;
	v4 =	vand.u32 $0xFFFFFFF0, v55  }
0x205: {  	v3 =	vor.u32 v3, v4  }
0x206: {  	v4 =	vperm.xlane v3, v0;
	_ =	sdelay $0x1  }
0x207: {  	v3 =	vperm.xlane v3, v2;
	v4 =	vadd.s32 v1, v4;
	_ =	sdelay $0x1  }
0x208: {  	v3 =	vadd.s32 v1, v3;
	_ =	sdelay $0x2  }
0x209: {  	[tilespmem:s13], [sflag:$0x2] =	stream.indirect_vreg.gather [hbm4b:s4+s2], $0x80, v4, vm0, $0xb8;
	[tilespmem:$0xC300] =	vst v63  }
0x20a: {  	s30 =	simm.s32 $0x3B00  }
0x20b: {  	[tilespmem:s30], [sflag:$0x2] =	stream.indirect_vreg.gather [hbm4b:s4+s2], $0x80, v3, vm0, $0xb8;
	[tilespmem:$0xC300] =	vst v63  }
0x20c: {  	v3 =	vld [tilespmem:$0x280];
	_ =	sdelay $0x4  }
0x20d: {  	v56 =	vshll.u32 v3, $0x1  }
0x20e: {  	v3 =	vand.u32 $0x7, v3;
	v4 =	vand.u32 $0xFFFFFFF0, v56  }
0x20f: {  	v3 =	vor.u32 v3, v4  }
0x210: {  	v4 =	vperm.xlane v3, v0;
	_ =	sdelay $0x1  }
0x211: {  	v3 =	vperm.xlane v3, v2;
	v4 =	vadd.s32 v1, v4;
	_ =	sdelay $0x1  }
0x212: {  	v3 =	vadd.s32 v1, v3;
	_ =	sdelay $0x1  }
0x213: {  	s16 =	simm.s32 $0x4300  }
0x214: {  	[tilespmem:s16], [sflag:$0x2] =	stream.indirect_vreg.gather [hbm4b:s4+s2], $0x80, v4, vm0, $0xb8;
	[tilespmem:$0xC300] =	vst v63  }
0x215: {  	s17 =	simm.s32 $0x4B00  }
0x216: {  	[tilespmem:s17], [sflag:$0x2] =	stream.indirect_vreg.gather [hbm4b:s4+s2], $0x80, v3, vm0, $0xb8;
	[tilespmem:$0xC300] =	vst v63  }
0x217: {  	v3 =	vld [tilespmem:$0x290];
	_ =	sdelay $0x4  }
0x218: {  	v57 =	vshll.u32 v3, $0x1  }
0x219: {  	v3 =	vand.u32 $0x7, v3;
	v4 =	vand.u32 $0xFFFFFFF0, v57  }
0x21a: {  	v3 =	vor.u32 v3, v4  }
0x21b: {  	v4 =	vperm.xlane v3, v0;
	_ =	sdelay $0x1  }
0x21c: {  	v3 =	vperm.xlane v3, v2;
	v4 =	vadd.s32 v1, v4;
	_ =	sdelay $0x1  }
0x21d: {  	v3 =	vadd.s32 v1, v3;
	_ =	sdelay $0x1  }
0x21e: {  	s20 =	simm.s32 $0x5300  }
0x21f: {  	[tilespmem:s20], [sflag:$0x2] =	stream.indirect_vreg.gather [hbm4b:s4+s2], $0x80, v4, vm0, $0xb8;
	[tilespmem:$0xC300] =	vst v63  }
0x220: {  	s16 =	simm.s32 $0x5B00  }
0x221: {  	[tilespmem:s16], [sflag:$0x2] =	stream.indirect_vreg.gather [hbm4b:s4+s2], $0x80, v3, vm0, $0xb8;
	[tilespmem:$0xC300] =	vst v63  }
0x222: {  	_ =	swait.ge [sflag:s8], $0x3000  }
0x223: {  	[sflag:s8] =	ssyncset.done $0x0  }
0x224: {  	s17 =	rddreg [dreg:$0xc];
	[sflag:s8] =	ssyncadd.s32 $0xFFFFD000  }
0x225: {  	[hbm4b:s17+s2] =	stream.linear.scatter [tilespmem:s19], [sflag:$0x7], $0x3000, $0x38;
	[tilespmem:$0xC300] =	vst v63  }
0x226: {  	_ =	swait.ge [sflag:s9], $0x3000  }
0x227: {  	[sflag:s9] =	ssyncset.done $0x0  }
0x228: {  	[sflag:s9] =	ssyncadd.s32 $0xFFFFD000  }
0x229: {  	v3 =	vld [tilespmem:$0x2A0];
	_ =	sdelay $0x4  }
0x22a: {  	v58 =	vshll.u32 v3, $0x1  }
0x22b: {  	v3 =	vand.u32 $0x7, v3;
	v4 =	vand.u32 $0xFFFFFFF0, v58  }
0x22c: {  	v3 =	vor.u32 v3, v4  }
0x22d: {  	v4 =	vperm.xlane v3, v0;
	_ =	sdelay $0x1  }
0x22e: {  	v3 =	vperm.xlane v3, v2;
	v4 =	vadd.s32 v1, v4;
	_ =	sdelay $0x1  }
0x22f: {  	v3 =	vadd.s32 v1, v3;
	_ =	sdelay $0x2  }
0x230: {  	[tilespmem:s19], [sflag:$0x3] =	stream.indirect_vreg.gather [hbm4b:s4+s2], $0x80, v4, vm0, $0xb8;
	[tilespmem:$0xC300] =	vst v63  }
0x231: {  	s14 =	simm.s32 $0x6B00  }
0x232: {  	[tilespmem:s14], [sflag:$0x3] =	stream.indirect_vreg.gather [hbm4b:s4+s2], $0x80, v3, vm0, $0xb8;
	[tilespmem:$0xC300] =	vst v63  }
0x233: {  	v3 =	vld [tilespmem:$0x2B0];
	_ =	sdelay $0x4  }
0x234: {  	v59 =	vshll.u32 v3, $0x1  }
0x235: {  	v3 =	vand.u32 $0x7, v3;
	v4 =	vand.u32 $0xFFFFFFF0, v59  }
0x236: {  	v3 =	vor.u32 v3, v4  }
0x237: {  	v4 =	vperm.xlane v3, v0;
	_ =	sdelay $0x1  }
0x238: {  	v3 =	vperm.xlane v3, v2;
	v4 =	vadd.s32 v1, v4;
	_ =	sdelay $0x1  }
0x239: {  	v3 =	vadd.s32 v1, v3;
	_ =	sdelay $0x1  }
0x23a: {  	s31 =	simm.s32 $0x7300  }
0x23b: {  	[tilespmem:s31], [sflag:$0x3] =	stream.indirect_vreg.gather [hbm4b:s4+s2], $0x80, v4, vm0, $0xb8;
	[tilespmem:$0xC300] =	vst v63  }
0x23c: {  	s20 =	simm.s32 $0x7B00  }
0x23d: {  	[tilespmem:s20], [sflag:$0x3] =	stream.indirect_vreg.gather [hbm4b:s4+s2], $0x80, v3, vm0, $0xb8;
	[tilespmem:$0xC300] =	vst v63  }
0x23e: {  	v3 =	vld [tilespmem:$0x2C0];
	_ =	sdelay $0x4  }
0x23f: {  	v60 =	vshll.u32 v3, $0x1  }
0x240: {  	v3 =	vand.u32 $0x7, v3;
	v4 =	vand.u32 $0xFFFFFFF0, v60  }
0x241: {  	v3 =	vor.u32 v3, v4  }
0x242: {  	v4 =	vperm.xlane v3, v0;
	_ =	sdelay $0x1  }
0x243: {  	v3 =	vperm.xlane v3, v2;
	v4 =	vadd.s32 v1, v4;
	_ =	sdelay $0x1  }
0x244: {  	v3 =	vadd.s32 v1, v3;
	_ =	sdelay $0x1  }
0x245: {  	s28 =	simm.s32 $0x8300  }
0x246: {  	[tilespmem:s28], [sflag:$0x3] =	stream.indirect_vreg.gather [hbm4b:s4+s2], $0x80, v4, vm0, $0xb8;
	[tilespmem:$0xC300] =	vst v63  }
0x247: {  	s22 =	simm.s32 $0x8B00  }
0x248: {  	[tilespmem:s22], [sflag:$0x3] =	stream.indirect_vreg.gather [hbm4b:s4+s2], $0x80, v3, vm0, $0xb8;
	[tilespmem:$0xC300] =	vst v63  }
0x249: {  	_ =	swait.ge [sflag:s10], $0x3000  }
0x24a: {  	[sflag:s10] =	ssyncset.done $0x0  }
0x24b: {  	s23 =	rddreg [dreg:$0xd];
	[sflag:s10] =	ssyncadd.s32 $0xFFFFD000  }
0x24c: {  	[hbm4b:s23+s2] =	stream.linear.scatter [tilespmem:s25], [sflag:$0x8], $0x3000, $0x38;
	[tilespmem:$0xC300] =	vst v63  }
0x24d: {  	_ =	swait.ge [sflag:s11], $0x3000  }
0x24e: {  	[sflag:s11] =	ssyncset.done $0x0  }
0x24f: {  	[sflag:s11] =	ssyncadd.s32 $0xFFFFD000  }
0x250: {  	v3 =	vld [tilespmem:$0x2D0];
	_ =	sdelay $0x4  }
0x251: {  	v61 =	vshll.u32 v3, $0x1  }
0x252: {  	v3 =	vand.u32 $0x7, v3;
	v4 =	vand.u32 $0xFFFFFFF0, v61  }
0x253: {  	v3 =	vor.u32 v3, v4  }
0x254: {  	v4 =	vperm.xlane v3, v0;
	_ =	sdelay $0x1  }
0x255: {  	v3 =	vperm.xlane v3, v2;
	v4 =	vadd.s32 v1, v4;
	_ =	sdelay $0x1  }
0x256: {  	v3 =	vadd.s32 v1, v3;
	_ =	sdelay $0x2  }
0x257: {  	[tilespmem:s25], [sflag:$0x4] =	stream.indirect_vreg.gather [hbm4b:s4+s2], $0x80, v4, vm0, $0xb8;
	[tilespmem:$0xC300] =	vst v63  }
0x258: {  	s24 =	simm.s32 $0x9B00  }
0x259: {  	[tilespmem:s24], [sflag:$0x4] =	stream.indirect_vreg.gather [hbm4b:s4+s2], $0x80, v3, vm0, $0xb8;
	[tilespmem:$0xC300] =	vst v63  }
0x25a: {  	v3 =	vld [tilespmem:$0x2E0];
	_ =	sdelay $0x4  }
0x25b: {  	v62 =	vshll.u32 v3, $0x1  }
0x25c: {  	v3 =	vand.u32 $0x7, v3;
	v4 =	vand.u32 $0xFFFFFFF0, v62  }
0x25d: {  	v3 =	vor.u32 v3, v4  }
0x25e: {  	v4 =	vperm.xlane v3, v0;
	_ =	sdelay $0x1  }
0x25f: {  	v3 =	vperm.xlane v3, v2;
	v4 =	vadd.s32 v1, v4;
	_ =	sdelay $0x1  }
0x260: {  	v3 =	vadd.s32 v1, v3;
	_ =	sdelay $0x1  }
0x261: {  	s26 =	simm.s32 $0xA300  }
0x262: {  	[tilespmem:s26], [sflag:$0x4] =	stream.indirect_vreg.gather [hbm4b:s4+s2], $0x80, v4, vm0, $0xb8;
	[tilespmem:$0xC300] =	vst v63  }
0x263: {  	s21 =	simm.s32 $0xAB00  }
0x264: {  	[tilespmem:s21], [sflag:$0x4] =	stream.indirect_vreg.gather [hbm4b:s4+s2], $0x80, v3, vm0, $0xb8;
	[tilespmem:$0xC300] =	vst v63  }
0x265: {  	v3 =	vld [tilespmem:$0x2F0];
	_ =	sdelay $0x4  }
0x266: {  	v63 =	vshll.u32 v3, $0x1  }
0x267: {  	v3 =	vand.u32 $0x7, v3;
	v4 =	vand.u32 $0xFFFFFFF0, v63  }
0x268: {  	v3 =	vor.u32 v3, v4  }
0x269: {  	v4 =	vperm.xlane v3, v0;
	_ =	sdelay $0x1  }
0x26a: {  	v3 =	vperm.xlane v3, v2;
	v4 =	vadd.s32 v1, v4;
	_ =	sdelay $0x1  }
0x26b: {  	v3 =	vadd.s32 v1, v3;
	_ =	sdelay $0x1  }
0x26c: {  	s7 =	simm.s32 $0xB300  }
0x26d: {  	[tilespmem:s7], [sflag:$0x4] =	stream.indirect_vreg.gather [hbm4b:s4+s2], $0x80, v4, vm0, $0xb8;
	[tilespmem:$0xC300] =	vst v63  }
0x26e: {  	s15 =	simm.s32 $0xBB00  }
0x26f: {  	[tilespmem:s15], [sflag:$0x4] =	stream.indirect_vreg.gather [hbm4b:s4+s2], $0x80, v3, vm0, $0xb8;
	[tilespmem:$0xC300] =	vst v63  }
0x270: {  	_ =	swait.ge [sflag:s1], $0x3000  }
0x271: {  	[sflag:s1] =	ssyncset.done $0x0  }
0x272: {  	s28 =	rddreg [dreg:$0xe];
	[sflag:s1] =	ssyncadd.s32 $0xFFFFD000  }
0x273: {  	[hbm4b:s28+s2] =	stream.linear.scatter [tilespmem:s18], [sflag:$0x5], $0x3000, $0x38;
	[tilespmem:$0xC300] =	vst v63  }
0x274: {  	_ =	swait.ge [sflag:s3], $0x3000  }
0x275: {  	[sflag:s3] =	ssyncset.done $0x0  }
0x276: {  	s29 =	rddreg [dreg:$0xf];
	[sflag:s3] =	ssyncadd.s32 $0xFFFFD000  }
0x277: {  	[hbm4b:s29+s2] =	stream.linear.scatter [tilespmem:s13], [sflag:$0x6], $0x3000, $0x38;
	[tilespmem:$0xC300] =	vst v63  }
0x278: {  	_ =	swait.ge [sflag:s8], $0x3000  }
0x279: {  	[sflag:s8] =	ssyncset.done $0x0  }
0x27a: {  	s30 =	rddreg [dreg:$0x10];
	[sflag:s8] =	ssyncadd.s32 $0xFFFFD000  }
0x27b: {  	[hbm4b:s30+s2] =	stream.linear.scatter [tilespmem:s19], [sflag:$0x7], $0x3000, $0x38;
	[tilespmem:$0xC300] =	vst v63  }
0x27c: {  	_ =	swait.ge [sflag:s10], $0x3000  }
0x27d: {  	[sflag:s10] =	ssyncset.done $0x0  }
0x27e: {  	s31 =	rddreg [dreg:$0x11];
	[sflag:s10] =	ssyncadd.s32 $0xFFFFD000  }
0x27f: {  	[hbm4b:s31+s2] =	stream.linear.scatter [tilespmem:s25], [sflag:$0x8], $0x3000, $0x38;
	[tilespmem:$0xC300] =	vst v63  }
0x280: {  	_ =	swait.ge [sflag:s0], $0x3000  }
0x281: {  	[sflag:s0] =	ssyncset.done $0x0  }
0x282: {  	[sflag:s0] =	ssyncadd.s32 $0xFFFFD000  }
0x283: {  	_ =	swait.ge [sflag:s6], $0x3000  }
0x284: {  	[sflag:s6] =	ssyncset.done $0x0  }
0x285: {  	[sflag:s6] =	ssyncadd.s32 $0xFFFFD000  }
0x286: {  	p0 =	sne.s32 s5, $0x1;
	_ =	swait.ge [sflag:s9], $0x3000  }
.Ltmp0:
0x287: {  	[sflag:s9] =	ssyncset.done $0x0;
	(pc) =	sbr.rel @p0 .LBB2_1-.Ltmp0, $4  }
0x288: {  	[sflag:s9] =	ssyncadd.s32 $0xFFFFD000  }
0x289: {  	_ =	swait.ge [sflag:s11], $0x3000  }
0x28a: {  	[sflag:s11] =	ssyncset.done $0x0  }
0x28b: {  	s5 =	sadd.s32 $0xFFFFFFFF, s5;
	[sflag:s11] =	ssyncadd.s32 $0xFFFFD000  }
0x28c: {  	_ =	sfence.sel $0x180000  }
0x28d: {  	[bflag:$0x0] =	sbarrier.arrive $0xFFFF  }
0x28e: {  	_ =	strace $0x90000047  }
0x28f: {  	s0 =	stileid.u32;
	[bflag:$0x2] =	sbarrier.arrive $0xFFFF  }
0x290: {  	p0 =	sne.s32 s0, $0x0;
	s0 =	rddreg [dreg:$0x1]  }
0x291: {  	s0 =	sadd.s32 @!p0 $0x100000, s0  }
0x292: {  	[sflag:s0] =	ssyncadd.tile.s32 @!p0 $0x1;
	_ =	shalt  }
.Lfunc_end2:
_tile_overlayer_lowered:
.L_overlay_start_2:
0x293: {  	(tag) =	ssettag $0x2  }
0x294: {  	s0 =	rddreg [dreg:$0x0];
	s2 =	stileid.u32  }
0x295: {  	s1 =	rddreg [dreg:$0x1];
	p0 =	sne.s32 s2, $0x0  }
0x296: {  	s3 =	rddreg [dreg:$0x2];
	[bflag:$0x3] =	sbarrier.arrive $0xFFFF;
	s2 =	simm.s32 @!p0 $0x1C09  }
0x297: {  	[timem:s3], [sflag:s2] =	dma.local @!p0 [hbm:s0], s1  }
0x298: {  	s0 =	simm.s32 @!p0 $0x9  }
0x299: {  	_ =	swait.ge @!p0 [sflag:s0], s1  }
0x29a: {  	s1 =	ssub.s32 @!p0 $0x0, s1;
	[sflag:s0] =	ssyncset.done @!p0 $0x0  }
0x29b: {  	[sflag:s0] =	ssyncadd.s32 @!p0 s1  }
0x29c: {  	[bflag:$0x3] =	sbarrier.arrive $0xFFFF  }
0x29d: {  	_ =	shalt  }

</sc_bundles>
